<compile_context>
chip_gen: v7x
topology: tpu7x:2x2x1
jax: 0.10.2.dev20260603
libtpu: 0.0.44.dev20260713+nightly
codegen_flags: <defaults>
</compile_context>

<pallas_src>
import functools

import jax
import jax.numpy as jnp
from jax import lax
from jax.experimental import pallas as pl
from jax.experimental.pallas import tpu as pltpu
from jax.experimental.pallas import tpu_sc as plsc

B, T = 4096, 200
V, D = 100000, 64
EPS = 1e-5
N = B * T

_info = plsc.get_sparse_core_info()
NC, NS = _info.num_cores, _info.num_subcores
NW = NC * NS
SEQ_PER_W = B // NW
TOK_PER_W = SEQ_PER_W * T
G0 = 128
G1 = T - G0


def _rsqrt(v):
    i = lax.bitcast_convert_type(v, jnp.int32)
    y = lax.bitcast_convert_type(jnp.int32(0x5F375A86) - (i >> 1), jnp.float32)
    return y * (1.5 - (0.5 * v) * y * y)


_SHUF_DNUMS = lax.GatherDimensionNumbers(
    offset_dims=(), collapsed_slice_dims=(0,), start_index_map=(0,))


def _shuffle(x, perm):
    return lax.gather(x, perm[:, None], dimension_numbers=_SHUF_DNUMS,
                      slice_sizes=(1,),
                      mode=lax.GatherScatterMode.PROMISE_IN_BOUNDS)


def _reduce_bcast(v, perms):
    for p in perms:
        v = v + _shuffle(v, p)
    return v


_mesh = plsc.VectorSubcoreMesh(core_axis_name="c", subcore_axis_name="s")


@functools.partial(
    pl.kernel,
    mesh=_mesh,
    out_type=jax.ShapeDtypeStruct((N, 2 * D), jnp.float32),
    scratch_types=[
        pltpu.VMEM((SEQ_PER_W, T), jnp.int32),
        [pltpu.VMEM((T, D), jnp.float32) for _ in range(2)],
        [pltpu.VMEM((T, 2 * D), jnp.float32) for _ in range(2)],
        pltpu.VMEM((T, D), jnp.float32),
        pltpu.VMEM((D,), jnp.float32),
        pltpu.VMEM((D,), jnp.float32),
        [pltpu.SemaphoreType.DMA for _ in range(2)],
        [pltpu.SemaphoreType.DMA for _ in range(2)],
    ],
    compiler_params=pltpu.CompilerParams(use_tc_tiling_on_sc=False),
)
def _embed_ln(ids_hbm, wt_hbm, pos_hbm, g_hbm, b_hbm, out_hbm,
              idx_v, narrow, wide, pos_v, g_v, b_v, gsems, wsems):
    wid = lax.axis_index("s") * NC + lax.axis_index("c")
    pltpu.sync_copy(ids_hbm.at[pl.ds(wid * SEQ_PER_W, SEQ_PER_W)], idx_v)
    pltpu.sync_copy(pos_hbm, pos_v)
    pltpu.sync_copy(g_hbm, g_v)
    pltpu.sync_copy(b_hbm, b_v)
    gvec = [g_v[pl.ds(16 * j, 16)] for j in range(4)]
    bvec = [b_v[pl.ds(16 * j, 16)] for j in range(4)]
    lanes = lax.iota(jnp.int32, 16)
    perms = [lanes ^ m for m in (8, 4, 2, 1)]
    base_out_row = wid * TOK_PER_W

    def gather_copies(g, buf):
        return (
            pltpu.make_async_copy(wt_hbm.at[idx_v.at[g, pl.ds(0, G0)]],
                                  narrow[buf].at[pl.ds(0, G0)], gsems[buf]),
            pltpu.make_async_copy(wt_hbm.at[idx_v.at[g, pl.ds(G0, G1)]],
                                  narrow[buf].at[pl.ds(G0, G1)], gsems[buf]),
        )

    def gather(g, buf):
        for c in gather_copies(g, buf):
            c.start()

    gather(0, 0)

    def chunk_phase(g, buf):
        @pl.when(g >= 2)
        def _():
            pltpu.make_async_copy(
                wide[buf], out_hbm.at[pl.ds(base_out_row, T)],
                wsems[buf]).wait()

        @pl.when(g + 1 < SEQ_PER_W)
        def _():
            gather(g + 1, 1 - buf)

        for c in gather_copies(g, buf):
            c.wait()
        rv = narrow[buf]
        wv = wide[buf]

        @plsc.parallel_loop(0, T, unroll=5)
        def tok_body(i):
            x = [rv[i, pl.ds(16 * j, 16)] + pos_v[i, pl.ds(16 * j, 16)]
                 for j in range(4)]
            s = (x[0] + x[1]) + (x[2] + x[3])
            q = (x[0] * x[0] + x[1] * x[1]) + (x[2] * x[2] + x[3] * x[3])
            mean = _reduce_bcast(s, perms) * (1.0 / D)
            var = _reduce_bcast(q, perms) * (1.0 / D) - mean * mean
            rstd = _rsqrt(var + EPS)
            for j in range(4):
                wv[i, pl.ds(16 * j, 16)] = (
                    (x[j] - mean) * rstd * gvec[j] + bvec[j])

        pltpu.async_copy(wv, out_hbm.at[pl.ds(base_out_row + g * T, T)],
                         wsems[buf])

    def ring_body(h, carry):
        chunk_phase(2 * h, 0)
        chunk_phase(2 * h + 1, 1)
        return carry

    lax.fori_loop(0, SEQ_PER_W // 2, ring_body, 0)

    for b in range(2):
        pltpu.make_async_copy(
            wide[b], out_hbm.at[pl.ds(base_out_row, T)], wsems[b]).wait()


def kernel(input_ids, word_table, pos_table, gamma, beta):
    out = _embed_ln(input_ids.astype(jnp.int32), word_table, pos_table[:T],
                    gamma, beta)
    return out.reshape(B, T, 2 * D)[:, :, :D]

# --- scband reference (transcript-rebuilt; emitter-appended) ---
"""Pipeline reference for scband-embedding-layer-43533788512575 (READ-ONLY COPY).

The authoritative reference and input builder live on the scoring server;
editing this copy changes nothing except your own understanding.
"""

import jax, jax.numpy as jnp
import numpy as np

B, T = 4096, 200
V, D, P = 100000, 64, 2048
EPS = 1e-5


def setup_inputs(seed: int = 0) -> dict:
    key = jax.random.key(seed)
    k1, k2, k3 = jax.random.split(key, 3)
    input_ids = jax.random.randint(k1, (B, T), 0, V)
    word_table = jax.random.normal(k2, (V, D), dtype=jnp.float32) * 0.02
    pos_table = jax.random.normal(k3, (P, D), dtype=jnp.float32) * 0.02
    gamma = jnp.ones((D,), dtype=jnp.float32)
    beta = jnp.zeros((D,), dtype=jnp.float32)
    return {"input_ids": input_ids, "word_table": word_table, "pos_table": pos_table, "gamma": gamma, "beta": beta}


def reference(input_ids, word_table, pos_table, gamma, beta):
    # word embedding lookup (gather)
    word_embed = jnp.take(word_table, input_ids, axis=0)  # (B, T, D)
    # default position ids: arange(T) broadcast over batch
    t = word_embed.shape[1]
    position_ids = jnp.arange(t)[None, :]  # (1, T)
    pos_embed = jnp.take(pos_table, position_ids, axis=0)  # (1, T, D)
    embeddings = word_embed + pos_embed
    # LayerNorm over last dim
    mean = jnp.mean(embeddings, axis=-1, keepdims=True)
    var = jnp.mean((embeddings - mean) ** 2, axis=-1, keepdims=True)
    normed = (embeddings - mean) / jnp.sqrt(var + EPS)
    out = normed * gamma + beta
    return out

if __name__ == "__main__":
    import jax
    _d = setup_inputs()
    print(jax.jit(kernel)(*tuple(_d.values())))

</pallas_src>

<mosaic_0001>
#map = affine_map<(d0, d1) -> (0, 0)>
#map1 = affine_map<(d0, d1) -> (0)>
module attributes {stable_mosaic.version = 14 : i64} {
  func.func @_embed_ln(%arg0: i32, %arg1: i32, %arg2: memref<4096x200xi32, #tpu.memory_space<hbm>>, %arg3: memref<100000x64xf32, #tpu.memory_space<hbm>>, %arg4: memref<200x64xf32, #tpu.memory_space<hbm>>, %arg5: memref<64xf32, #tpu.memory_space<hbm>>, %arg6: memref<64xf32, #tpu.memory_space<hbm>>, %arg7: memref<819200x128xf32, #tpu.memory_space<hbm>>, %arg8: memref<128x200xi32, #tpu.memory_space<vmem>>, %arg9: memref<200x64xf32, #tpu.memory_space<vmem>>, %arg10: memref<200x64xf32, #tpu.memory_space<vmem>>, %arg11: memref<200x128xf32, #tpu.memory_space<vmem>>, %arg12: memref<200x128xf32, #tpu.memory_space<vmem>>, %arg13: memref<200x64xf32, #tpu.memory_space<vmem>>, %arg14: memref<64xf32, #tpu.memory_space<vmem>>, %arg15: memref<64xf32, #tpu.memory_space<vmem>>, %arg16: memref<!tpu.dma_semaphore, #tpu.memory_space<semaphore_mem>>, %arg17: memref<!tpu.dma_semaphore, #tpu.memory_space<semaphore_mem>>, %arg18: memref<!tpu.dma_semaphore, #tpu.memory_space<semaphore_mem>>, %arg19: memref<!tpu.dma_semaphore, #tpu.memory_space<semaphore_mem>>) attributes {dimension_semantics = [#tpu.dimension_semantics<core_parallel>, #tpu.dimension_semantics<subcore_parallel>], iteration_bounds = array<i64: 2, 16>, scalar_prefetch = 0 : i64, scratch_operands = 12 : i64, tpu.core_type = #tpu.core_type<sc_vector_subcore>, window_params = [{transform_indices = #map}, {transform_indices = #map}, {transform_indices = #map}, {transform_indices = #map1}, {transform_indices = #map1}, {transform_indices = #map}]} {
    %mul3A = arith.constant 2 : i32
    %mul3A_0 = arith.muli %arg1, %mul3A : i32
    %add3A = arith.addi %mul3A_0, %arg0 : i32
    %mul3A_1 = arith.constant 128 : i32
    %mul3A_2 = arith.muli %add3A, %mul3A_1 : i32
    "tpu.region"() ({
      %run_scoped3A = tpu.sem_alloc : memref<!tpu.dma_semaphore, #tpu.memory_space<semaphore_mem>>
      %dma_start3A_70 = arith.constant 0 : i32
      %dma_start3A_71 = tpu.memref_slice %arg2[%mul3A_2, %dma_start3A_70] : memref<4096x200xi32, #tpu.memory_space<hbm>> -> memref<128x200xi32, #tpu.memory_space<hbm>>
      %dma_start3A_72 = arith.constant 0 : i32
      %dma_start3A_73 = tpu.memref_slice %arg2[%mul3A_2, %dma_start3A_72] : memref<4096x200xi32, #tpu.memory_space<hbm>> -> memref<128x200xi32, #tpu.memory_space<hbm>>
      tpu.enqueue_dma source(%dma_start3A_73 : memref<128x200xi32, #tpu.memory_space<hbm>>) target(%arg8 : memref<128x200xi32, #tpu.memory_space<vmem>>) target_semaphore(%run_scoped3A : memref<!tpu.dma_semaphore, #tpu.memory_space<semaphore_mem>>)
      %dma_wait3A_74 = arith.constant 0 : i32
      %dma_wait3A_75 = tpu.memref_slice %arg2[%mul3A_2, %dma_wait3A_74] : memref<4096x200xi32, #tpu.memory_space<hbm>> -> memref<128x200xi32, #tpu.memory_space<hbm>>
      %dma_wait3A_76 = arith.constant 0 : i32
      %dma_wait3A_77 = tpu.memref_slice %arg2[%mul3A_2, %dma_wait3A_76] : memref<4096x200xi32, #tpu.memory_space<hbm>> -> memref<128x200xi32, #tpu.memory_space<hbm>>
      tpu.wait_dma2 semaphore(%run_scoped3A : memref<!tpu.dma_semaphore, #tpu.memory_space<semaphore_mem>>) src(%dma_wait3A_77 : memref<128x200xi32, #tpu.memory_space<hbm>>) dst(%arg8 : memref<128x200xi32, #tpu.memory_space<vmem>>)
      tpu.yield
    }) : () -> ()
    "tpu.region"() ({
      %run_scoped3A = tpu.sem_alloc : memref<!tpu.dma_semaphore, #tpu.memory_space<semaphore_mem>>
      tpu.enqueue_dma source(%arg4 : memref<200x64xf32, #tpu.memory_space<hbm>>) target(%arg13 : memref<200x64xf32, #tpu.memory_space<vmem>>) target_semaphore(%run_scoped3A : memref<!tpu.dma_semaphore, #tpu.memory_space<semaphore_mem>>)
      tpu.wait_dma2 semaphore(%run_scoped3A : memref<!tpu.dma_semaphore, #tpu.memory_space<semaphore_mem>>) src(%arg4 : memref<200x64xf32, #tpu.memory_space<hbm>>) dst(%arg13 : memref<200x64xf32, #tpu.memory_space<vmem>>)
      tpu.yield
    }) : () -> ()
    "tpu.region"() ({
      %run_scoped3A = tpu.sem_alloc : memref<!tpu.dma_semaphore, #tpu.memory_space<semaphore_mem>>
      tpu.enqueue_dma source(%arg5 : memref<64xf32, #tpu.memory_space<hbm>>) target(%arg14 : memref<64xf32, #tpu.memory_space<vmem>>) target_semaphore(%run_scoped3A : memref<!tpu.dma_semaphore, #tpu.memory_space<semaphore_mem>>)
      tpu.wait_dma2 semaphore(%run_scoped3A : memref<!tpu.dma_semaphore, #tpu.memory_space<semaphore_mem>>) src(%arg5 : memref<64xf32, #tpu.memory_space<hbm>>) dst(%arg14 : memref<64xf32, #tpu.memory_space<vmem>>)
      tpu.yield
    }) : () -> ()
    "tpu.region"() ({
      %run_scoped3A = tpu.sem_alloc : memref<!tpu.dma_semaphore, #tpu.memory_space<semaphore_mem>>
      tpu.enqueue_dma source(%arg6 : memref<64xf32, #tpu.memory_space<hbm>>) target(%arg15 : memref<64xf32, #tpu.memory_space<vmem>>) target_semaphore(%run_scoped3A : memref<!tpu.dma_semaphore, #tpu.memory_space<semaphore_mem>>)
      tpu.wait_dma2 semaphore(%run_scoped3A : memref<!tpu.dma_semaphore, #tpu.memory_space<semaphore_mem>>) src(%arg6 : memref<64xf32, #tpu.memory_space<hbm>>) dst(%arg15 : memref<64xf32, #tpu.memory_space<vmem>>)
      tpu.yield
    }) : () -> ()
    %get3A = arith.constant 0 : index
    %get3A_3 = tpu.vector_load %arg14[%get3A] {strides = array<i32>} : memref<64xf32, #tpu.memory_space<vmem>>, vector<16xf32>,
    %get3A_4 = vector.shape_cast %get3A_3 : vector<16xf32> to vector<16xf32>
    %get3A_5 = arith.constant 16 : index
    %get3A_6 = tpu.vector_load %arg14[%get3A_5] {strides = array<i32>} : memref<64xf32, #tpu.memory_space<vmem>>, vector<16xf32>,
    %get3A_7 = vector.shape_cast %get3A_6 : vector<16xf32> to vector<16xf32>
    %get3A_8 = arith.constant 32 : index
    %get3A_9 = tpu.vector_load %arg14[%get3A_8] {strides = array<i32>} : memref<64xf32, #tpu.memory_space<vmem>>, vector<16xf32>,
    %get3A_10 = vector.shape_cast %get3A_9 : vector<16xf32> to vector<16xf32>
    %get3A_11 = arith.constant 48 : index
    %get3A_12 = tpu.vector_load %arg14[%get3A_11] {strides = array<i32>} : memref<64xf32, #tpu.memory_space<vmem>>, vector<16xf32>,
    %get3A_13 = vector.shape_cast %get3A_12 : vector<16xf32> to vector<16xf32>
    %get3A_14 = arith.constant 0 : index
    %get3A_15 = tpu.vector_load %arg15[%get3A_14] {strides = array<i32>} : memref<64xf32, #tpu.memory_space<vmem>>, vector<16xf32>,
    %get3A_16 = vector.shape_cast %get3A_15 : vector<16xf32> to vector<16xf32>
    %get3A_17 = arith.constant 16 : index
    %get3A_18 = tpu.vector_load %arg15[%get3A_17] {strides = array<i32>} : memref<64xf32, #tpu.memory_space<vmem>>, vector<16xf32>,
    %get3A_19 = vector.shape_cast %get3A_18 : vector<16xf32> to vector<16xf32>
    %get3A_20 = arith.constant 32 : index
    %get3A_21 = tpu.vector_load %arg15[%get3A_20] {strides = array<i32>} : memref<64xf32, #tpu.memory_space<vmem>>, vector<16xf32>,
    %get3A_22 = vector.shape_cast %get3A_21 : vector<16xf32> to vector<16xf32>
    %get3A_23 = arith.constant 48 : index
    %get3A_24 = tpu.vector_load %arg15[%get3A_23] {strides = array<i32>} : memref<64xf32, #tpu.memory_space<vmem>>, vector<16xf32>,
    %get3A_25 = vector.shape_cast %get3A_24 : vector<16xf32> to vector<16xf32>
    %iota3A = tpu.iota {dimensions = array<i32: 0>} : vector<16xi32>
    %xor3A = arith.constant 8 : i32
    %xor3A_26 = vector.broadcast %xor3A : i32 to vector<16xi32>
    %xor3A_27 = arith.xori %iota3A, %xor3A_26 : vector<16xi32>
    %xor3A_28 = arith.constant 4 : i32
    %xor3A_29 = vector.broadcast %xor3A_28 : i32 to vector<16xi32>
    %xor3A_30 = arith.xori %iota3A, %xor3A_29 : vector<16xi32>
    %xor3A_31 = arith.constant 2 : i32
    %xor3A_32 = vector.broadcast %xor3A_31 : i32 to vector<16xi32>
    %xor3A_33 = arith.xori %iota3A, %xor3A_32 : vector<16xi32>
    %xor3A_34 = arith.constant 1 : i32
    %xor3A_35 = vector.broadcast %xor3A_34 : i32 to vector<16xi32>
    %xor3A_36 = arith.xori %iota3A, %xor3A_35 : vector<16xi32>
    %mul3A_37 = arith.constant 25600 : i32
    %mul3A_38 = arith.muli %add3A, %mul3A_37 : i32
    %dma_start3A = arith.constant 0 : i32
    %dma_start3A_39 = arith.constant 0 : i32
    %dma_start3A_40 = arith.constant 0 : i32
    %dma_start3A_41 = tpu.memref_slice %arg9[%dma_start3A_39, %dma_start3A_40] : memref<200x64xf32, #tpu.memory_space<vmem>> -> memref<128x64xf32, #tpu.memory_space<vmem>>
    %dma_start3A_42 = arith.constant 0 : i32
    %dma_start3A_43 = tpu.memref_slice %arg8[%dma_start3A, %dma_start3A_42] : memref<128x200xi32, #tpu.memory_space<vmem>> -> memref<1x128xi32, #tpu.memory_space<vmem>>
    %dma_start3A_44 = tpu.memref_squeeze %dma_start3A_43 : memref<1x128xi32, #tpu.memory_space<vmem>> -> memref<128xi32, #tpu.memory_space<vmem>>
    %dma_start3A_45 = arith.constant 0 : i32
    %dma_start3A_46 = arith.constant 0 : i32
    %dma_start3A_47 = tpu.memref_slice %arg3[%dma_start3A_45, %dma_start3A_46] : memref<100000x64xf32, #tpu.memory_space<hbm>> -> memref<100000x64xf32, #tpu.memory_space<hbm>>
    tpu.enqueue_indirect_dma source(%dma_start3A_47 : memref<100000x64xf32, #tpu.memory_space<hbm>>) target(%dma_start3A_41 : memref<128x64xf32, #tpu.memory_space<vmem>>) offsets(%dma_start3A_44 : memref<128xi32, #tpu.memory_space<vmem>>) semaphore(%arg16 : memref<!tpu.dma_semaphore, #tpu.memory_space<semaphore_mem>>)
    %dma_start3A_48 = arith.constant 0 : i32
    %dma_start3A_49 = arith.constant 128 : i32
    %dma_start3A_50 = arith.constant 0 : i32
    %dma_start3A_51 = tpu.memref_slice %arg9[%dma_start3A_49, %dma_start3A_50] : memref<200x64xf32, #tpu.memory_space<vmem>> -> memref<72x64xf32, #tpu.memory_space<vmem>>
    %dma_start3A_52 = arith.constant 128 : i32
    %dma_start3A_53 = tpu.memref_slice %arg8[%dma_start3A_48, %dma_start3A_52] : memref<128x200xi32, #tpu.memory_space<vmem>> -> memref<1x72xi32, #tpu.memory_space<vmem>>
    %dma_start3A_54 = tpu.memref_squeeze %dma_start3A_53 : memref<1x72xi32, #tpu.memory_space<vmem>> -> memref<72xi32, #tpu.memory_space<vmem>>
    %dma_start3A_55 = arith.constant 0 : i32
    %dma_start3A_56 = arith.constant 0 : i32
    %dma_start3A_57 = tpu.memref_slice %arg3[%dma_start3A_55, %dma_start3A_56] : memref<100000x64xf32, #tpu.memory_space<hbm>> -> memref<100000x64xf32, #tpu.memory_space<hbm>>
    tpu.enqueue_indirect_dma source(%dma_start3A_57 : memref<100000x64xf32, #tpu.memory_space<hbm>>) target(%dma_start3A_51 : memref<72x64xf32, #tpu.memory_space<vmem>>) offsets(%dma_start3A_54 : memref<72xi32, #tpu.memory_space<vmem>>) semaphore(%arg16 : memref<!tpu.dma_semaphore, #tpu.memory_space<semaphore_mem>>)
    %scan3A = arith.constant 0 : i32
    %scan3A_58 = arith.constant 0 : i32
    %scan3A_59 = arith.constant 64 : i32
    %scan3A_60 = arith.addi %scan3A_58, %scan3A_59 : i32
    %scan3A_61 = arith.constant 1 : i32
    scf.for %scan3A_70 = %scan3A_58 to %scan3A_60 step %scan3A_61  : i32 {
      %mul3A_71 = arith.constant 2 : i32
      %mul3A_72 = arith.muli %mul3A_71, %scan3A_70 : i32
      %ge3A = arith.constant 2 : i32
      %ge3A_73 = arith.cmpi sge, %mul3A_72, %ge3A : i32
      %convert_element_type3A = arith.extui %ge3A_73 : i1 to i32
      %cond3A = arith.constant 0 : i32
      %cond3A_74 = arith.cmpi ne, %convert_element_type3A, %cond3A : i32
      scf.if %cond3A_74 {
        %dma_wait3A_152 = arith.constant 0 : i32
        %dma_wait3A_153 = tpu.memref_slice %arg7[%mul3A_38, %dma_wait3A_152] : memref<819200x128xf32, #tpu.memory_space<hbm>> -> memref<200x128xf32, #tpu.memory_space<hbm>>
        %dma_wait3A_154 = arith.constant 0 : i32
        %dma_wait3A_155 = tpu.memref_slice %arg7[%mul3A_38, %dma_wait3A_154] : memref<819200x128xf32, #tpu.memory_space<hbm>> -> memref<200x128xf32, #tpu.memory_space<hbm>>
        tpu.wait_dma2 semaphore(%arg18 : memref<!tpu.dma_semaphore, #tpu.memory_space<semaphore_mem>>) src(%arg11 : memref<200x128xf32, #tpu.memory_space<vmem>>) dst(%dma_wait3A_155 : memref<200x128xf32, #tpu.memory_space<hbm>>)
      } else {
      }
      %add3A_75 = arith.constant 1 : i32
      %add3A_76 = arith.addi %mul3A_72, %add3A_75 : i32
      %lt3A = arith.constant 128 : i32
      %lt3A_77 = arith.cmpi slt, %add3A_76, %lt3A : i32
      %convert_element_type3A_78 = arith.extui %lt3A_77 : i1 to i32
      %cond3A_79 = arith.constant 0 : i32
      %cond3A_80 = arith.cmpi ne, %convert_element_type3A_78, %cond3A_79 : i32
      scf.if %cond3A_80 {
        %add3A_152 = arith.constant 1 : i32
        %add3A_153 = arith.addi %mul3A_72, %add3A_152 : i32
        %dma_start3A_154 = arith.constant 0 : i32
        %dma_start3A_155 = arith.constant 0 : i32
        %dma_start3A_156 = tpu.memref_slice %arg10[%dma_start3A_154, %dma_start3A_155] : memref<200x64xf32, #tpu.memory_space<vmem>> -> memref<128x64xf32, #tpu.memory_space<vmem>>
        %dma_start3A_157 = arith.constant 0 : i32
        %dma_start3A_158 = tpu.memref_slice %arg8[%add3A_153, %dma_start3A_157] : memref<128x200xi32, #tpu.memory_space<vmem>> -> memref<1x128xi32, #tpu.memory_space<vmem>>
        %dma_start3A_159 = tpu.memref_squeeze %dma_start3A_158 : memref<1x128xi32, #tpu.memory_space<vmem>> -> memref<128xi32, #tpu.memory_space<vmem>>
        %dma_start3A_160 = arith.constant 0 : i32
        %dma_start3A_161 = arith.constant 0 : i32
        %dma_start3A_162 = tpu.memref_slice %arg3[%dma_start3A_160, %dma_start3A_161] : memref<100000x64xf32, #tpu.memory_space<hbm>> -> memref<100000x64xf32, #tpu.memory_space<hbm>>
        tpu.enqueue_indirect_dma source(%dma_start3A_162 : memref<100000x64xf32, #tpu.memory_space<hbm>>) target(%dma_start3A_156 : memref<128x64xf32, #tpu.memory_space<vmem>>) offsets(%dma_start3A_159 : memref<128xi32, #tpu.memory_space<vmem>>) semaphore(%arg17 : memref<!tpu.dma_semaphore, #tpu.memory_space<semaphore_mem>>)
        %dma_start3A_163 = arith.constant 128 : i32
        %dma_start3A_164 = arith.constant 0 : i32
        %dma_start3A_165 = tpu.memref_slice %arg10[%dma_start3A_163, %dma_start3A_164] : memref<200x64xf32, #tpu.memory_space<vmem>> -> memref<72x64xf32, #tpu.memory_space<vmem>>
        %dma_start3A_166 = arith.constant 128 : i32
        %dma_start3A_167 = tpu.memref_slice %arg8[%add3A_153, %dma_start3A_166] : memref<128x200xi32, #tpu.memory_space<vmem>> -> memref<1x72xi32, #tpu.memory_space<vmem>>
        %dma_start3A_168 = tpu.memref_squeeze %dma_start3A_167 : memref<1x72xi32, #tpu.memory_space<vmem>> -> memref<72xi32, #tpu.memory_space<vmem>>
        %dma_start3A_169 = arith.constant 0 : i32
        %dma_start3A_170 = arith.constant 0 : i32
        %dma_start3A_171 = tpu.memref_slice %arg3[%dma_start3A_169, %dma_start3A_170] : memref<100000x64xf32, #tpu.memory_space<hbm>> -> memref<100000x64xf32, #tpu.memory_space<hbm>>
        tpu.enqueue_indirect_dma source(%dma_start3A_171 : memref<100000x64xf32, #tpu.memory_space<hbm>>) target(%dma_start3A_165 : memref<72x64xf32, #tpu.memory_space<vmem>>) offsets(%dma_start3A_168 : memref<72xi32, #tpu.memory_space<vmem>>) semaphore(%arg17 : memref<!tpu.dma_semaphore, #tpu.memory_space<semaphore_mem>>)
      } else {
      }
      %dma_wait3A_81 = arith.constant 0 : i32
      %dma_wait3A_82 = arith.constant 0 : i32
      %dma_wait3A_83 = tpu.memref_slice %arg9[%dma_wait3A_81, %dma_wait3A_82] : memref<200x64xf32, #tpu.memory_space<vmem>> -> memref<128x64xf32, #tpu.memory_space<vmem>>
      %dma_wait3A_84 = arith.constant 0 : i32
      %dma_wait3A_85 = tpu.memref_slice %arg8[%mul3A_72, %dma_wait3A_84] : memref<128x200xi32, #tpu.memory_space<vmem>> -> memref<1x128xi32, #tpu.memory_space<vmem>>
      %dma_wait3A_86 = tpu.memref_squeeze %dma_wait3A_85 : memref<1x128xi32, #tpu.memory_space<vmem>> -> memref<128xi32, #tpu.memory_space<vmem>>
      %dma_wait3A_87 = arith.constant 0 : i32
      %dma_wait3A_88 = arith.constant 0 : i32
      %dma_wait3A_89 = tpu.memref_slice %arg3[%dma_wait3A_87, %dma_wait3A_88] : memref<100000x64xf32, #tpu.memory_space<hbm>> -> memref<100000x64xf32, #tpu.memory_space<hbm>>
      tpu.wait_indirect_dma semaphore(%arg16 : memref<!tpu.dma_semaphore, #tpu.memory_space<semaphore_mem>>) src(%dma_wait3A_89 : memref<100000x64xf32, #tpu.memory_space<hbm>>) dst(%dma_wait3A_83 : memref<128x64xf32, #tpu.memory_space<vmem>>)
      %dma_wait3A_90 = arith.constant 128 : i32
      %dma_wait3A_91 = arith.constant 0 : i32
      %dma_wait3A_92 = tpu.memref_slice %arg9[%dma_wait3A_90, %dma_wait3A_91] : memref<200x64xf32, #tpu.memory_space<vmem>> -> memref<72x64xf32, #tpu.memory_space<vmem>>
      %dma_wait3A_93 = arith.constant 128 : i32
      %dma_wait3A_94 = tpu.memref_slice %arg8[%mul3A_72, %dma_wait3A_93] : memref<128x200xi32, #tpu.memory_space<vmem>> -> memref<1x72xi32, #tpu.memory_space<vmem>>
      %dma_wait3A_95 = tpu.memref_squeeze %dma_wait3A_94 : memref<1x72xi32, #tpu.memory_space<vmem>> -> memref<72xi32, #tpu.memory_space<vmem>>
      %dma_wait3A_96 = arith.constant 0 : i32
      %dma_wait3A_97 = arith.constant 0 : i32
      %dma_wait3A_98 = tpu.memref_slice %arg3[%dma_wait3A_96, %dma_wait3A_97] : memref<100000x64xf32, #tpu.memory_space<hbm>> -> memref<100000x64xf32, #tpu.memory_space<hbm>>
      tpu.wait_indirect_dma semaphore(%arg16 : memref<!tpu.dma_semaphore, #tpu.memory_space<semaphore_mem>>) src(%dma_wait3A_98 : memref<100000x64xf32, #tpu.memory_space<hbm>>) dst(%dma_wait3A_92 : memref<72x64xf32, #tpu.memory_space<vmem>>)
      %parallel_loop3A = arith.constant 0 : i32
      %parallel_loop3A_99 = arith.constant 200 : i32
      %parallel_loop3A_100 = arith.constant 1 : i32
      scf.for %parallel_loop3A_152 = %parallel_loop3A to %parallel_loop3A_99 step %parallel_loop3A_100  : i32 {
        %parallel_loop3A_153 = arith.index_cast %parallel_loop3A_152 : i32 to index
        %parallel_loop3A_154 = arith.constant 0 : index
        %parallel_loop3A_155 = tpu.vector_load %arg9[%parallel_loop3A_153, %parallel_loop3A_154] {strides = array<i32>} : memref<200x64xf32, #tpu.memory_space<vmem>>, vector<1x16xf32>,
        %parallel_loop3A_156 = vector.shape_cast %parallel_loop3A_155 : vector<1x16xf32> to vector<16xf32>
        %parallel_loop3A_157 = arith.index_cast %parallel_loop3A_152 : i32 to index
        %parallel_loop3A_158 = arith.constant 0 : index
        %parallel_loop3A_159 = tpu.vector_load %arg13[%parallel_loop3A_157, %parallel_loop3A_158] {strides = array<i32>} : memref<200x64xf32, #tpu.memory_space<vmem>>, vector<1x16xf32>,
        %parallel_loop3A_160 = vector.shape_cast %parallel_loop3A_159 : vector<1x16xf32> to vector<16xf32>
        %parallel_loop3A_161 = arith.addf %parallel_loop3A_156, %parallel_loop3A_160 : vector<16xf32>
        %parallel_loop3A_162 = arith.index_cast %parallel_loop3A_152 : i32 to index
        %parallel_loop3A_163 = arith.constant 16 : index
        %parallel_loop3A_164 = tpu.vector_load %arg9[%parallel_loop3A_162, %parallel_loop3A_163] {strides = array<i32>} : memref<200x64xf32, #tpu.memory_space<vmem>>, vector<1x16xf32>,
        %parallel_loop3A_165 = vector.shape_cast %parallel_loop3A_164 : vector<1x16xf32> to vector<16xf32>
        %parallel_loop3A_166 = arith.index_cast %parallel_loop3A_152 : i32 to index
        %parallel_loop3A_167 = arith.constant 16 : index
        %parallel_loop3A_168 = tpu.vector_load %arg13[%parallel_loop3A_166, %parallel_loop3A_167] {strides = array<i32>} : memref<200x64xf32, #tpu.memory_space<vmem>>, vector<1x16xf32>,
        %parallel_loop3A_169 = vector.shape_cast %parallel_loop3A_168 : vector<1x16xf32> to vector<16xf32>
        %parallel_loop3A_170 = arith.addf %parallel_loop3A_165, %parallel_loop3A_169 : vector<16xf32>
        %parallel_loop3A_171 = arith.index_cast %parallel_loop3A_152 : i32 to index
        %parallel_loop3A_172 = arith.constant 32 : index
        %parallel_loop3A_173 = tpu.vector_load %arg9[%parallel_loop3A_171, %parallel_loop3A_172] {strides = array<i32>} : memref<200x64xf32, #tpu.memory_space<vmem>>, vector<1x16xf32>,
        %parallel_loop3A_174 = vector.shape_cast %parallel_loop3A_173 : vector<1x16xf32> to vector<16xf32>
        %parallel_loop3A_175 = arith.index_cast %parallel_loop3A_152 : i32 to index
        %parallel_loop3A_176 = arith.constant 32 : index
        %parallel_loop3A_177 = tpu.vector_load %arg13[%parallel_loop3A_175, %parallel_loop3A_176] {strides = array<i32>} : memref<200x64xf32, #tpu.memory_space<vmem>>, vector<1x16xf32>,
        %parallel_loop3A_178 = vector.shape_cast %parallel_loop3A_177 : vector<1x16xf32> to vector<16xf32>
        %parallel_loop3A_179 = arith.addf %parallel_loop3A_174, %parallel_loop3A_178 : vector<16xf32>
        %parallel_loop3A_180 = arith.index_cast %parallel_loop3A_152 : i32 to index
        %parallel_loop3A_181 = arith.constant 48 : index
        %parallel_loop3A_182 = tpu.vector_load %arg9[%parallel_loop3A_180, %parallel_loop3A_181] {strides = array<i32>} : memref<200x64xf32, #tpu.memory_space<vmem>>, vector<1x16xf32>,
        %parallel_loop3A_183 = vector.shape_cast %parallel_loop3A_182 : vector<1x16xf32> to vector<16xf32>
        %parallel_loop3A_184 = arith.index_cast %parallel_loop3A_152 : i32 to index
        %parallel_loop3A_185 = arith.constant 48 : index
        %parallel_loop3A_186 = tpu.vector_load %arg13[%parallel_loop3A_184, %parallel_loop3A_185] {strides = array<i32>} : memref<200x64xf32, #tpu.memory_space<vmem>>, vector<1x16xf32>,
        %parallel_loop3A_187 = vector.shape_cast %parallel_loop3A_186 : vector<1x16xf32> to vector<16xf32>
        %parallel_loop3A_188 = arith.addf %parallel_loop3A_183, %parallel_loop3A_187 : vector<16xf32>
        %parallel_loop3A_189 = arith.addf %parallel_loop3A_161, %parallel_loop3A_170 : vector<16xf32>
        %parallel_loop3A_190 = arith.addf %parallel_loop3A_179, %parallel_loop3A_188 : vector<16xf32>
        %parallel_loop3A_191 = arith.addf %parallel_loop3A_189, %parallel_loop3A_190 : vector<16xf32>
        %parallel_loop3A_192 = arith.mulf %parallel_loop3A_161, %parallel_loop3A_161 : vector<16xf32>
        %parallel_loop3A_193 = arith.mulf %parallel_loop3A_170, %parallel_loop3A_170 : vector<16xf32>
        %parallel_loop3A_194 = arith.addf %parallel_loop3A_192, %parallel_loop3A_193 : vector<16xf32>
        %parallel_loop3A_195 = arith.mulf %parallel_loop3A_179, %parallel_loop3A_179 : vector<16xf32>
        %parallel_loop3A_196 = arith.mulf %parallel_loop3A_188, %parallel_loop3A_188 : vector<16xf32>
        %parallel_loop3A_197 = arith.addf %parallel_loop3A_195, %parallel_loop3A_196 : vector<16xf32>
        %parallel_loop3A_198 = arith.addf %parallel_loop3A_194, %parallel_loop3A_197 : vector<16xf32>
        %parallel_loop3A_199 = vector.shape_cast %xor3A_27 : vector<16xi32> to vector<16x1xi32>
        %parallel_loop3A_200 = vector.shape_cast %parallel_loop3A_199 : vector<16x1xi32> to vector<16xi32>
        %parallel_loop3A_201 = tpu.dynamic_gather %parallel_loop3A_191[%parallel_loop3A_200] in [0] : vector<16xf32>, vector<16xi32> -> vector<16xf32>
        %parallel_loop3A_202 = arith.addf %parallel_loop3A_191, %parallel_loop3A_201 : vector<16xf32>
        %parallel_loop3A_203 = vector.shape_cast %xor3A_30 : vector<16xi32> to vector<16x1xi32>
        %parallel_loop3A_204 = vector.shape_cast %parallel_loop3A_203 : vector<16x1xi32> to vector<16xi32>
        %parallel_loop3A_205 = tpu.dynamic_gather %parallel_loop3A_202[%parallel_loop3A_204] in [0] : vector<16xf32>, vector<16xi32> -> vector<16xf32>
        %parallel_loop3A_206 = arith.addf %parallel_loop3A_202, %parallel_loop3A_205 : vector<16xf32>
        %parallel_loop3A_207 = vector.shape_cast %xor3A_33 : vector<16xi32> to vector<16x1xi32>
        %parallel_loop3A_208 = vector.shape_cast %parallel_loop3A_207 : vector<16x1xi32> to vector<16xi32>
        %parallel_loop3A_209 = tpu.dynamic_gather %parallel_loop3A_206[%parallel_loop3A_208] in [0] : vector<16xf32>, vector<16xi32> -> vector<16xf32>
        %parallel_loop3A_210 = arith.addf %parallel_loop3A_206, %parallel_loop3A_209 : vector<16xf32>
        %parallel_loop3A_211 = vector.shape_cast %xor3A_36 : vector<16xi32> to vector<16x1xi32>
        %parallel_loop3A_212 = vector.shape_cast %parallel_loop3A_211 : vector<16x1xi32> to vector<16xi32>
        %parallel_loop3A_213 = tpu.dynamic_gather %parallel_loop3A_210[%parallel_loop3A_212] in [0] : vector<16xf32>, vector<16xi32> -> vector<16xf32>
        %parallel_loop3A_214 = arith.addf %parallel_loop3A_210, %parallel_loop3A_213 : vector<16xf32>
        %parallel_loop3A_215 = arith.constant 1.562500e-02 : f32
        %parallel_loop3A_216 = vector.broadcast %parallel_loop3A_215 : f32 to vector<16xf32>
        %parallel_loop3A_217 = arith.mulf %parallel_loop3A_214, %parallel_loop3A_216 : vector<16xf32>
        %parallel_loop3A_218 = vector.shape_cast %xor3A_27 : vector<16xi32> to vector<16x1xi32>
        %parallel_loop3A_219 = vector.shape_cast %parallel_loop3A_218 : vector<16x1xi32> to vector<16xi32>
        %parallel_loop3A_220 = tpu.dynamic_gather %parallel_loop3A_198[%parallel_loop3A_219] in [0] : vector<16xf32>, vector<16xi32> -> vector<16xf32>
        %parallel_loop3A_221 = arith.addf %parallel_loop3A_198, %parallel_loop3A_220 : vector<16xf32>
        %parallel_loop3A_222 = vector.shape_cast %xor3A_30 : vector<16xi32> to vector<16x1xi32>
        %parallel_loop3A_223 = vector.shape_cast %parallel_loop3A_222 : vector<16x1xi32> to vector<16xi32>
        %parallel_loop3A_224 = tpu.dynamic_gather %parallel_loop3A_221[%parallel_loop3A_223] in [0] : vector<16xf32>, vector<16xi32> -> vector<16xf32>
        %parallel_loop3A_225 = arith.addf %parallel_loop3A_221, %parallel_loop3A_224 : vector<16xf32>
        %parallel_loop3A_226 = vector.shape_cast %xor3A_33 : vector<16xi32> to vector<16x1xi32>
        %parallel_loop3A_227 = vector.shape_cast %parallel_loop3A_226 : vector<16x1xi32> to vector<16xi32>
        %parallel_loop3A_228 = tpu.dynamic_gather %parallel_loop3A_225[%parallel_loop3A_227] in [0] : vector<16xf32>, vector<16xi32> -> vector<16xf32>
        %parallel_loop3A_229 = arith.addf %parallel_loop3A_225, %parallel_loop3A_228 : vector<16xf32>
        %parallel_loop3A_230 = vector.shape_cast %xor3A_36 : vector<16xi32> to vector<16x1xi32>
        %parallel_loop3A_231 = vector.shape_cast %parallel_loop3A_230 : vector<16x1xi32> to vector<16xi32>
        %parallel_loop3A_232 = tpu.dynamic_gather %parallel_loop3A_229[%parallel_loop3A_231] in [0] : vector<16xf32>, vector<16xi32> -> vector<16xf32>
        %parallel_loop3A_233 = arith.addf %parallel_loop3A_229, %parallel_loop3A_232 : vector<16xf32>
        %parallel_loop3A_234 = arith.constant 1.562500e-02 : f32
        %parallel_loop3A_235 = vector.broadcast %parallel_loop3A_234 : f32 to vector<16xf32>
        %parallel_loop3A_236 = arith.mulf %parallel_loop3A_233, %parallel_loop3A_235 : vector<16xf32>
        %parallel_loop3A_237 = arith.mulf %parallel_loop3A_217, %parallel_loop3A_217 : vector<16xf32>
        %parallel_loop3A_238 = arith.subf %parallel_loop3A_236, %parallel_loop3A_237 : vector<16xf32>
        %parallel_loop3A_239 = arith.constant 9.99999974E-6 : f32
        %parallel_loop3A_240 = vector.broadcast %parallel_loop3A_239 : f32 to vector<16xf32>
        %parallel_loop3A_241 = arith.addf %parallel_loop3A_238, %parallel_loop3A_240 : vector<16xf32>
        %parallel_loop3A_242 = tpu.bitcast %parallel_loop3A_241 : vector<16xf32> -> vector<16xi32>
        %parallel_loop3A_243 = arith.constant 1 : i32
        %parallel_loop3A_244 = vector.broadcast %parallel_loop3A_243 : i32 to vector<16xi32>
        %parallel_loop3A_245 = arith.shrsi %parallel_loop3A_242, %parallel_loop3A_244 : vector<16xi32>
        %parallel_loop3A_246 = arith.constant 1597463174 : i32
        %parallel_loop3A_247 = vector.broadcast %parallel_loop3A_246 : i32 to vector<16xi32>
        %parallel_loop3A_248 = arith.subi %parallel_loop3A_247, %parallel_loop3A_245 : vector<16xi32>
        %parallel_loop3A_249 = tpu.bitcast %parallel_loop3A_248 : vector<16xi32> -> vector<16xf32>
        %parallel_loop3A_250 = arith.constant 5.000000e-01 : f32
        %parallel_loop3A_251 = vector.broadcast %parallel_loop3A_250 : f32 to vector<16xf32>
        %parallel_loop3A_252 = arith.mulf %parallel_loop3A_251, %parallel_loop3A_241 : vector<16xf32>
        %parallel_loop3A_253 = arith.mulf %parallel_loop3A_252, %parallel_loop3A_249 : vector<16xf32>
        %parallel_loop3A_254 = arith.mulf %parallel_loop3A_253, %parallel_loop3A_249 : vector<16xf32>
        %parallel_loop3A_255 = arith.constant 1.500000e+00 : f32
        %parallel_loop3A_256 = vector.broadcast %parallel_loop3A_255 : f32 to vector<16xf32>
        %parallel_loop3A_257 = arith.subf %parallel_loop3A_256, %parallel_loop3A_254 : vector<16xf32>
        %parallel_loop3A_258 = arith.mulf %parallel_loop3A_249, %parallel_loop3A_257 : vector<16xf32>
        %parallel_loop3A_259 = arith.subf %parallel_loop3A_161, %parallel_loop3A_217 : vector<16xf32>
        %parallel_loop3A_260 = arith.mulf %parallel_loop3A_259, %parallel_loop3A_258 : vector<16xf32>
        %parallel_loop3A_261 = arith.mulf %parallel_loop3A_260, %get3A_4 : vector<16xf32>
        %parallel_loop3A_262 = arith.addf %parallel_loop3A_261, %get3A_16 : vector<16xf32>
        %parallel_loop3A_263 = arith.index_cast %parallel_loop3A_152 : i32 to index
        %parallel_loop3A_264 = arith.constant 0 : index
        %parallel_loop3A_265 = tpu.vector_load %arg11[%parallel_loop3A_263, %parallel_loop3A_264] {strides = array<i32>} : memref<200x128xf32, #tpu.memory_space<vmem>>, vector<1x16xf32>,
        %parallel_loop3A_266 = vector.shape_cast %parallel_loop3A_265 : vector<1x16xf32> to vector<16xf32>
        %parallel_loop3A_267 = vector.shape_cast %parallel_loop3A_262 : vector<16xf32> to vector<1x16xf32>
        tpu.vector_store %arg11[%parallel_loop3A_263, %parallel_loop3A_264], %parallel_loop3A_267 {strides = array<i32>} : memref<200x128xf32, #tpu.memory_space<vmem>>, vector<1x16xf32>,
        %parallel_loop3A_268 = arith.subf %parallel_loop3A_170, %parallel_loop3A_217 : vector<16xf32>
        %parallel_loop3A_269 = arith.mulf %parallel_loop3A_268, %parallel_loop3A_258 : vector<16xf32>
        %parallel_loop3A_270 = arith.mulf %parallel_loop3A_269, %get3A_7 : vector<16xf32>
        %parallel_loop3A_271 = arith.addf %parallel_loop3A_270, %get3A_19 : vector<16xf32>
        %parallel_loop3A_272 = arith.index_cast %parallel_loop3A_152 : i32 to index
        %parallel_loop3A_273 = arith.constant 16 : index
        %parallel_loop3A_274 = tpu.vector_load %arg11[%parallel_loop3A_272, %parallel_loop3A_273] {strides = array<i32>} : memref<200x128xf32, #tpu.memory_space<vmem>>, vector<1x16xf32>,
        %parallel_loop3A_275 = vector.shape_cast %parallel_loop3A_274 : vector<1x16xf32> to vector<16xf32>
        %parallel_loop3A_276 = vector.shape_cast %parallel_loop3A_271 : vector<16xf32> to vector<1x16xf32>
        tpu.vector_store %arg11[%parallel_loop3A_272, %parallel_loop3A_273], %parallel_loop3A_276 {strides = array<i32>} : memref<200x128xf32, #tpu.memory_space<vmem>>, vector<1x16xf32>,
        %parallel_loop3A_277 = arith.subf %parallel_loop3A_179, %parallel_loop3A_217 : vector<16xf32>
        %parallel_loop3A_278 = arith.mulf %parallel_loop3A_277, %parallel_loop3A_258 : vector<16xf32>
        %parallel_loop3A_279 = arith.mulf %parallel_loop3A_278, %get3A_10 : vector<16xf32>
        %parallel_loop3A_280 = arith.addf %parallel_loop3A_279, %get3A_22 : vector<16xf32>
        %parallel_loop3A_281 = arith.index_cast %parallel_loop3A_152 : i32 to index
        %parallel_loop3A_282 = arith.constant 32 : index
        %parallel_loop3A_283 = tpu.vector_load %arg11[%parallel_loop3A_281, %parallel_loop3A_282] {strides = array<i32>} : memref<200x128xf32, #tpu.memory_space<vmem>>, vector<1x16xf32>,
        %parallel_loop3A_284 = vector.shape_cast %parallel_loop3A_283 : vector<1x16xf32> to vector<16xf32>
        %parallel_loop3A_285 = vector.shape_cast %parallel_loop3A_280 : vector<16xf32> to vector<1x16xf32>
        tpu.vector_store %arg11[%parallel_loop3A_281, %parallel_loop3A_282], %parallel_loop3A_285 {strides = array<i32>} : memref<200x128xf32, #tpu.memory_space<vmem>>, vector<1x16xf32>,
        %parallel_loop3A_286 = arith.subf %parallel_loop3A_188, %parallel_loop3A_217 : vector<16xf32>
        %parallel_loop3A_287 = arith.mulf %parallel_loop3A_286, %parallel_loop3A_258 : vector<16xf32>
        %parallel_loop3A_288 = arith.mulf %parallel_loop3A_287, %get3A_13 : vector<16xf32>
        %parallel_loop3A_289 = arith.addf %parallel_loop3A_288, %get3A_25 : vector<16xf32>
        %parallel_loop3A_290 = arith.index_cast %parallel_loop3A_152 : i32 to index
        %parallel_loop3A_291 = arith.constant 48 : index
        %parallel_loop3A_292 = tpu.vector_load %arg11[%parallel_loop3A_290, %parallel_loop3A_291] {strides = array<i32>} : memref<200x128xf32, #tpu.memory_space<vmem>>, vector<1x16xf32>,
        %parallel_loop3A_293 = vector.shape_cast %parallel_loop3A_292 : vector<1x16xf32> to vector<16xf32>
        %parallel_loop3A_294 = vector.shape_cast %parallel_loop3A_289 : vector<16xf32> to vector<1x16xf32>
        tpu.vector_store %arg11[%parallel_loop3A_290, %parallel_loop3A_291], %parallel_loop3A_294 {strides = array<i32>} : memref<200x128xf32, #tpu.memory_space<vmem>>, vector<1x16xf32>,
      } {sc.loop_unroll_factor = 5 : i64, sc.parallel_access}
      %mul3A_101 = arith.constant 200 : i32
      %mul3A_102 = arith.muli %mul3A_72, %mul3A_101 : i32
      %add3A_103 = arith.addi %mul3A_38, %mul3A_102 : i32
      %dma_start3A_104 = arith.constant 0 : i32
      %dma_start3A_105 = tpu.memref_slice %arg7[%add3A_103, %dma_start3A_104] : memref<819200x128xf32, #tpu.memory_space<hbm>> -> memref<200x128xf32, #tpu.memory_space<hbm>>
      %dma_start3A_106 = arith.constant 0 : i32
      %dma_start3A_107 = tpu.memref_slice %arg7[%add3A_103, %dma_start3A_106] : memref<819200x128xf32, #tpu.memory_space<hbm>> -> memref<200x128xf32, #tpu.memory_space<hbm>>
      tpu.enqueue_dma source(%arg11 : memref<200x128xf32, #tpu.memory_space<vmem>>) target(%dma_start3A_107 : memref<200x128xf32, #tpu.memory_space<hbm>>) target_semaphore(%arg18 : memref<!tpu.dma_semaphore, #tpu.memory_space<semaphore_mem>>)
      %mul3A_108 = arith.constant 2 : i32
      %mul3A_109 = arith.muli %mul3A_108, %scan3A_70 : i32
      %add3A_110 = arith.constant 1 : i32
      %add3A_111 = arith.addi %mul3A_109, %add3A_110 : i32
      %ge3A_112 = arith.constant 2 : i32
      %ge3A_113 = arith.cmpi sge, %add3A_111, %ge3A_112 : i32
      %convert_element_type3A_114 = arith.extui %ge3A_113 : i1 to i32
      %cond3A_115 = arith.constant 0 : i32
      %cond3A_116 = arith.cmpi ne, %convert_element_type3A_114, %cond3A_115 : i32
      scf.if %cond3A_116 {
        %dma_wait3A_152 = arith.constant 0 : i32
        %dma_wait3A_153 = tpu.memref_slice %arg7[%mul3A_38, %dma_wait3A_152] : memref<819200x128xf32, #tpu.memory_space<hbm>> -> memref<200x128xf32, #tpu.memory_space<hbm>>
        %dma_wait3A_154 = arith.constant 0 : i32
        %dma_wait3A_155 = tpu.memref_slice %arg7[%mul3A_38, %dma_wait3A_154] : memref<819200x128xf32, #tpu.memory_space<hbm>> -> memref<200x128xf32, #tpu.memory_space<hbm>>
        tpu.wait_dma2 semaphore(%arg19 : memref<!tpu.dma_semaphore, #tpu.memory_space<semaphore_mem>>) src(%arg12 : memref<200x128xf32, #tpu.memory_space<vmem>>) dst(%dma_wait3A_155 : memref<200x128xf32, #tpu.memory_space<hbm>>)
      } else {
      }
      %add3A_117 = arith.constant 1 : i32
      %add3A_118 = arith.addi %add3A_111, %add3A_117 : i32
      %lt3A_119 = arith.constant 128 : i32
      %lt3A_120 = arith.cmpi slt, %add3A_118, %lt3A_119 : i32
      %convert_element_type3A_121 = arith.extui %lt3A_120 : i1 to i32
      %cond3A_122 = arith.constant 0 : i32
      %cond3A_123 = arith.cmpi ne, %convert_element_type3A_121, %cond3A_122 : i32
      scf.if %cond3A_123 {
        %add3A_152 = arith.constant 1 : i32
        %add3A_153 = arith.addi %add3A_111, %add3A_152 : i32
        %dma_start3A_154 = arith.constant 0 : i32
        %dma_start3A_155 = arith.constant 0 : i32
        %dma_start3A_156 = tpu.memref_slice %arg9[%dma_start3A_154, %dma_start3A_155] : memref<200x64xf32, #tpu.memory_space<vmem>> -> memref<128x64xf32, #tpu.memory_space<vmem>>
        %dma_start3A_157 = arith.constant 0 : i32
        %dma_start3A_158 = tpu.memref_slice %arg8[%add3A_153, %dma_start3A_157] : memref<128x200xi32, #tpu.memory_space<vmem>> -> memref<1x128xi32, #tpu.memory_space<vmem>>
        %dma_start3A_159 = tpu.memref_squeeze %dma_start3A_158 : memref<1x128xi32, #tpu.memory_space<vmem>> -> memref<128xi32, #tpu.memory_space<vmem>>
        %dma_start3A_160 = arith.constant 0 : i32
        %dma_start3A_161 = arith.constant 0 : i32
        %dma_start3A_162 = tpu.memref_slice %arg3[%dma_start3A_160, %dma_start3A_161] : memref<100000x64xf32, #tpu.memory_space<hbm>> -> memref<100000x64xf32, #tpu.memory_space<hbm>>
        tpu.enqueue_indirect_dma source(%dma_start3A_162 : memref<100000x64xf32, #tpu.memory_space<hbm>>) target(%dma_start3A_156 : memref<128x64xf32, #tpu.memory_space<vmem>>) offsets(%dma_start3A_159 : memref<128xi32, #tpu.memory_space<vmem>>) semaphore(%arg16 : memref<!tpu.dma_semaphore, #tpu.memory_space<semaphore_mem>>)
        %dma_start3A_163 = arith.constant 128 : i32
        %dma_start3A_164 = arith.constant 0 : i32
        %dma_start3A_165 = tpu.memref_slice %arg9[%dma_start3A_163, %dma_start3A_164] : memref<200x64xf32, #tpu.memory_space<vmem>> -> memref<72x64xf32, #tpu.memory_space<vmem>>
        %dma_start3A_166 = arith.constant 128 : i32
        %dma_start3A_167 = tpu.memref_slice %arg8[%add3A_153, %dma_start3A_166] : memref<128x200xi32, #tpu.memory_space<vmem>> -> memref<1x72xi32, #tpu.memory_space<vmem>>
        %dma_start3A_168 = tpu.memref_squeeze %dma_start3A_167 : memref<1x72xi32, #tpu.memory_space<vmem>> -> memref<72xi32, #tpu.memory_space<vmem>>
        %dma_start3A_169 = arith.constant 0 : i32
        %dma_start3A_170 = arith.constant 0 : i32
        %dma_start3A_171 = tpu.memref_slice %arg3[%dma_start3A_169, %dma_start3A_170] : memref<100000x64xf32, #tpu.memory_space<hbm>> -> memref<100000x64xf32, #tpu.memory_space<hbm>>
        tpu.enqueue_indirect_dma source(%dma_start3A_171 : memref<100000x64xf32, #tpu.memory_space<hbm>>) target(%dma_start3A_165 : memref<72x64xf32, #tpu.memory_space<vmem>>) offsets(%dma_start3A_168 : memref<72xi32, #tpu.memory_space<vmem>>) semaphore(%arg16 : memref<!tpu.dma_semaphore, #tpu.memory_space<semaphore_mem>>)
      } else {
      }
      %dma_wait3A_124 = arith.constant 0 : i32
      %dma_wait3A_125 = arith.constant 0 : i32
      %dma_wait3A_126 = tpu.memref_slice %arg10[%dma_wait3A_124, %dma_wait3A_125] : memref<200x64xf32, #tpu.memory_space<vmem>> -> memref<128x64xf32, #tpu.memory_space<vmem>>
      %dma_wait3A_127 = arith.constant 0 : i32
      %dma_wait3A_128 = tpu.memref_slice %arg8[%add3A_111, %dma_wait3A_127] : memref<128x200xi32, #tpu.memory_space<vmem>> -> memref<1x128xi32, #tpu.memory_space<vmem>>
      %dma_wait3A_129 = tpu.memref_squeeze %dma_wait3A_128 : memref<1x128xi32, #tpu.memory_space<vmem>> -> memref<128xi32, #tpu.memory_space<vmem>>
      %dma_wait3A_130 = arith.constant 0 : i32
      %dma_wait3A_131 = arith.constant 0 : i32
      %dma_wait3A_132 = tpu.memref_slice %arg3[%dma_wait3A_130, %dma_wait3A_131] : memref<100000x64xf32, #tpu.memory_space<hbm>> -> memref<100000x64xf32, #tpu.memory_space<hbm>>
      tpu.wait_indirect_dma semaphore(%arg17 : memref<!tpu.dma_semaphore, #tpu.memory_space<semaphore_mem>>) src(%dma_wait3A_132 : memref<100000x64xf32, #tpu.memory_space<hbm>>) dst(%dma_wait3A_126 : memref<128x64xf32, #tpu.memory_space<vmem>>)
      %dma_wait3A_133 = arith.constant 128 : i32
      %dma_wait3A_134 = arith.constant 0 : i32
      %dma_wait3A_135 = tpu.memref_slice %arg10[%dma_wait3A_133, %dma_wait3A_134] : memref<200x64xf32, #tpu.memory_space<vmem>> -> memref<72x64xf32, #tpu.memory_space<vmem>>
      %dma_wait3A_136 = arith.constant 128 : i32
      %dma_wait3A_137 = tpu.memref_slice %arg8[%add3A_111, %dma_wait3A_136] : memref<128x200xi32, #tpu.memory_space<vmem>> -> memref<1x72xi32, #tpu.memory_space<vmem>>
      %dma_wait3A_138 = tpu.memref_squeeze %dma_wait3A_137 : memref<1x72xi32, #tpu.memory_space<vmem>> -> memref<72xi32, #tpu.memory_space<vmem>>
      %dma_wait3A_139 = arith.constant 0 : i32
      %dma_wait3A_140 = arith.constant 0 : i32
      %dma_wait3A_141 = tpu.memref_slice %arg3[%dma_wait3A_139, %dma_wait3A_140] : memref<100000x64xf32, #tpu.memory_space<hbm>> -> memref<100000x64xf32, #tpu.memory_space<hbm>>
      tpu.wait_indirect_dma semaphore(%arg17 : memref<!tpu.dma_semaphore, #tpu.memory_space<semaphore_mem>>) src(%dma_wait3A_141 : memref<100000x64xf32, #tpu.memory_space<hbm>>) dst(%dma_wait3A_135 : memref<72x64xf32, #tpu.memory_space<vmem>>)
      %parallel_loop3A_142 = arith.constant 0 : i32
      %parallel_loop3A_143 = arith.constant 200 : i32
      %parallel_loop3A_144 = arith.constant 1 : i32
      scf.for %parallel_loop3A_152 = %parallel_loop3A_142 to %parallel_loop3A_143 step %parallel_loop3A_144  : i32 {
        %parallel_loop3A_153 = arith.index_cast %parallel_loop3A_152 : i32 to index
        %parallel_loop3A_154 = arith.constant 0 : index
        %parallel_loop3A_155 = tpu.vector_load %arg10[%parallel_loop3A_153, %parallel_loop3A_154] {strides = array<i32>} : memref<200x64xf32, #tpu.memory_space<vmem>>, vector<1x16xf32>,
        %parallel_loop3A_156 = vector.shape_cast %parallel_loop3A_155 : vector<1x16xf32> to vector<16xf32>
        %parallel_loop3A_157 = arith.index_cast %parallel_loop3A_152 : i32 to index
        %parallel_loop3A_158 = arith.constant 0 : index
        %parallel_loop3A_159 = tpu.vector_load %arg13[%parallel_loop3A_157, %parallel_loop3A_158] {strides = array<i32>} : memref<200x64xf32, #tpu.memory_space<vmem>>, vector<1x16xf32>,
        %parallel_loop3A_160 = vector.shape_cast %parallel_loop3A_159 : vector<1x16xf32> to vector<16xf32>
        %parallel_loop3A_161 = arith.addf %parallel_loop3A_156, %parallel_loop3A_160 : vector<16xf32>
        %parallel_loop3A_162 = arith.index_cast %parallel_loop3A_152 : i32 to index
        %parallel_loop3A_163 = arith.constant 16 : index
        %parallel_loop3A_164 = tpu.vector_load %arg10[%parallel_loop3A_162, %parallel_loop3A_163] {strides = array<i32>} : memref<200x64xf32, #tpu.memory_space<vmem>>, vector<1x16xf32>,
        %parallel_loop3A_165 = vector.shape_cast %parallel_loop3A_164 : vector<1x16xf32> to vector<16xf32>
        %parallel_loop3A_166 = arith.index_cast %parallel_loop3A_152 : i32 to index
        %parallel_loop3A_167 = arith.constant 16 : index
        %parallel_loop3A_168 = tpu.vector_load %arg13[%parallel_loop3A_166, %parallel_loop3A_167] {strides = array<i32>} : memref<200x64xf32, #tpu.memory_space<vmem>>, vector<1x16xf32>,
        %parallel_loop3A_169 = vector.shape_cast %parallel_loop3A_168 : vector<1x16xf32> to vector<16xf32>
        %parallel_loop3A_170 = arith.addf %parallel_loop3A_165, %parallel_loop3A_169 : vector<16xf32>
        %parallel_loop3A_171 = arith.index_cast %parallel_loop3A_152 : i32 to index
        %parallel_loop3A_172 = arith.constant 32 : index
        %parallel_loop3A_173 = tpu.vector_load %arg10[%parallel_loop3A_171, %parallel_loop3A_172] {strides = array<i32>} : memref<200x64xf32, #tpu.memory_space<vmem>>, vector<1x16xf32>,
        %parallel_loop3A_174 = vector.shape_cast %parallel_loop3A_173 : vector<1x16xf32> to vector<16xf32>
        %parallel_loop3A_175 = arith.index_cast %parallel_loop3A_152 : i32 to index
        %parallel_loop3A_176 = arith.constant 32 : index
        %parallel_loop3A_177 = tpu.vector_load %arg13[%parallel_loop3A_175, %parallel_loop3A_176] {strides = array<i32>} : memref<200x64xf32, #tpu.memory_space<vmem>>, vector<1x16xf32>,
        %parallel_loop3A_178 = vector.shape_cast %parallel_loop3A_177 : vector<1x16xf32> to vector<16xf32>
        %parallel_loop3A_179 = arith.addf %parallel_loop3A_174, %parallel_loop3A_178 : vector<16xf32>
        %parallel_loop3A_180 = arith.index_cast %parallel_loop3A_152 : i32 to index
        %parallel_loop3A_181 = arith.constant 48 : index
        %parallel_loop3A_182 = tpu.vector_load %arg10[%parallel_loop3A_180, %parallel_loop3A_181] {strides = array<i32>} : memref<200x64xf32, #tpu.memory_space<vmem>>, vector<1x16xf32>,
        %parallel_loop3A_183 = vector.shape_cast %parallel_loop3A_182 : vector<1x16xf32> to vector<16xf32>
        %parallel_loop3A_184 = arith.index_cast %parallel_loop3A_152 : i32 to index
        %parallel_loop3A_185 = arith.constant 48 : index
        %parallel_loop3A_186 = tpu.vector_load %arg13[%parallel_loop3A_184, %parallel_loop3A_185] {strides = array<i32>} : memref<200x64xf32, #tpu.memory_space<vmem>>, vector<1x16xf32>,
        %parallel_loop3A_187 = vector.shape_cast %parallel_loop3A_186 : vector<1x16xf32> to vector<16xf32>
        %parallel_loop3A_188 = arith.addf %parallel_loop3A_183, %parallel_loop3A_187 : vector<16xf32>
        %parallel_loop3A_189 = arith.addf %parallel_loop3A_161, %parallel_loop3A_170 : vector<16xf32>
        %parallel_loop3A_190 = arith.addf %parallel_loop3A_179, %parallel_loop3A_188 : vector<16xf32>
        %parallel_loop3A_191 = arith.addf %parallel_loop3A_189, %parallel_loop3A_190 : vector<16xf32>
        %parallel_loop3A_192 = arith.mulf %parallel_loop3A_161, %parallel_loop3A_161 : vector<16xf32>
        %parallel_loop3A_193 = arith.mulf %parallel_loop3A_170, %parallel_loop3A_170 : vector<16xf32>
        %parallel_loop3A_194 = arith.addf %parallel_loop3A_192, %parallel_loop3A_193 : vector<16xf32>
        %parallel_loop3A_195 = arith.mulf %parallel_loop3A_179, %parallel_loop3A_179 : vector<16xf32>
        %parallel_loop3A_196 = arith.mulf %parallel_loop3A_188, %parallel_loop3A_188 : vector<16xf32>
        %parallel_loop3A_197 = arith.addf %parallel_loop3A_195, %parallel_loop3A_196 : vector<16xf32>
        %parallel_loop3A_198 = arith.addf %parallel_loop3A_194, %parallel_loop3A_197 : vector<16xf32>
        %parallel_loop3A_199 = vector.shape_cast %xor3A_27 : vector<16xi32> to vector<16x1xi32>
        %parallel_loop3A_200 = vector.shape_cast %parallel_loop3A_199 : vector<16x1xi32> to vector<16xi32>
        %parallel_loop3A_201 = tpu.dynamic_gather %parallel_loop3A_191[%parallel_loop3A_200] in [0] : vector<16xf32>, vector<16xi32> -> vector<16xf32>
        %parallel_loop3A_202 = arith.addf %parallel_loop3A_191, %parallel_loop3A_201 : vector<16xf32>
        %parallel_loop3A_203 = vector.shape_cast %xor3A_30 : vector<16xi32> to vector<16x1xi32>
        %parallel_loop3A_204 = vector.shape_cast %parallel_loop3A_203 : vector<16x1xi32> to vector<16xi32>
        %parallel_loop3A_205 = tpu.dynamic_gather %parallel_loop3A_202[%parallel_loop3A_204] in [0] : vector<16xf32>, vector<16xi32> -> vector<16xf32>
        %parallel_loop3A_206 = arith.addf %parallel_loop3A_202, %parallel_loop3A_205 : vector<16xf32>
        %parallel_loop3A_207 = vector.shape_cast %xor3A_33 : vector<16xi32> to vector<16x1xi32>
        %parallel_loop3A_208 = vector.shape_cast %parallel_loop3A_207 : vector<16x1xi32> to vector<16xi32>
        %parallel_loop3A_209 = tpu.dynamic_gather %parallel_loop3A_206[%parallel_loop3A_208] in [0] : vector<16xf32>, vector<16xi32> -> vector<16xf32>
        %parallel_loop3A_210 = arith.addf %parallel_loop3A_206, %parallel_loop3A_209 : vector<16xf32>
        %parallel_loop3A_211 = vector.shape_cast %xor3A_36 : vector<16xi32> to vector<16x1xi32>
        %parallel_loop3A_212 = vector.shape_cast %parallel_loop3A_211 : vector<16x1xi32> to vector<16xi32>
        %parallel_loop3A_213 = tpu.dynamic_gather %parallel_loop3A_210[%parallel_loop3A_212] in [0] : vector<16xf32>, vector<16xi32> -> vector<16xf32>
        %parallel_loop3A_214 = arith.addf %parallel_loop3A_210, %parallel_loop3A_213 : vector<16xf32>
        %parallel_loop3A_215 = arith.constant 1.562500e-02 : f32
        %parallel_loop3A_216 = vector.broadcast %parallel_loop3A_215 : f32 to vector<16xf32>
        %parallel_loop3A_217 = arith.mulf %parallel_loop3A_214, %parallel_loop3A_216 : vector<16xf32>
        %parallel_loop3A_218 = vector.shape_cast %xor3A_27 : vector<16xi32> to vector<16x1xi32>
        %parallel_loop3A_219 = vector.shape_cast %parallel_loop3A_218 : vector<16x1xi32> to vector<16xi32>
        %parallel_loop3A_220 = tpu.dynamic_gather %parallel_loop3A_198[%parallel_loop3A_219] in [0] : vector<16xf32>, vector<16xi32> -> vector<16xf32>
        %parallel_loop3A_221 = arith.addf %parallel_loop3A_198, %parallel_loop3A_220 : vector<16xf32>
        %parallel_loop3A_222 = vector.shape_cast %xor3A_30 : vector<16xi32> to vector<16x1xi32>
        %parallel_loop3A_223 = vector.shape_cast %parallel_loop3A_222 : vector<16x1xi32> to vector<16xi32>
        %parallel_loop3A_224 = tpu.dynamic_gather %parallel_loop3A_221[%parallel_loop3A_223] in [0] : vector<16xf32>, vector<16xi32> -> vector<16xf32>
        %parallel_loop3A_225 = arith.addf %parallel_loop3A_221, %parallel_loop3A_224 : vector<16xf32>
        %parallel_loop3A_226 = vector.shape_cast %xor3A_33 : vector<16xi32> to vector<16x1xi32>
        %parallel_loop3A_227 = vector.shape_cast %parallel_loop3A_226 : vector<16x1xi32> to vector<16xi32>
        %parallel_loop3A_228 = tpu.dynamic_gather %parallel_loop3A_225[%parallel_loop3A_227] in [0] : vector<16xf32>, vector<16xi32> -> vector<16xf32>
        %parallel_loop3A_229 = arith.addf %parallel_loop3A_225, %parallel_loop3A_228 : vector<16xf32>
        %parallel_loop3A_230 = vector.shape_cast %xor3A_36 : vector<16xi32> to vector<16x1xi32>
        %parallel_loop3A_231 = vector.shape_cast %parallel_loop3A_230 : vector<16x1xi32> to vector<16xi32>
        %parallel_loop3A_232 = tpu.dynamic_gather %parallel_loop3A_229[%parallel_loop3A_231] in [0] : vector<16xf32>, vector<16xi32> -> vector<16xf32>
        %parallel_loop3A_233 = arith.addf %parallel_loop3A_229, %parallel_loop3A_232 : vector<16xf32>
        %parallel_loop3A_234 = arith.constant 1.562500e-02 : f32
        %parallel_loop3A_235 = vector.broadcast %parallel_loop3A_234 : f32 to vector<16xf32>
        %parallel_loop3A_236 = arith.mulf %parallel_loop3A_233, %parallel_loop3A_235 : vector<16xf32>
        %parallel_loop3A_237 = arith.mulf %parallel_loop3A_217, %parallel_loop3A_217 : vector<16xf32>
        %parallel_loop3A_238 = arith.subf %parallel_loop3A_236, %parallel_loop3A_237 : vector<16xf32>
        %parallel_loop3A_239 = arith.constant 9.99999974E-6 : f32
        %parallel_loop3A_240 = vector.broadcast %parallel_loop3A_239 : f32 to vector<16xf32>
        %parallel_loop3A_241 = arith.addf %parallel_loop3A_238, %parallel_loop3A_240 : vector<16xf32>
        %parallel_loop3A_242 = tpu.bitcast %parallel_loop3A_241 : vector<16xf32> -> vector<16xi32>
        %parallel_loop3A_243 = arith.constant 1 : i32
        %parallel_loop3A_244 = vector.broadcast %parallel_loop3A_243 : i32 to vector<16xi32>
        %parallel_loop3A_245 = arith.shrsi %parallel_loop3A_242, %parallel_loop3A_244 : vector<16xi32>
        %parallel_loop3A_246 = arith.constant 1597463174 : i32
        %parallel_loop3A_247 = vector.broadcast %parallel_loop3A_246 : i32 to vector<16xi32>
        %parallel_loop3A_248 = arith.subi %parallel_loop3A_247, %parallel_loop3A_245 : vector<16xi32>
        %parallel_loop3A_249 = tpu.bitcast %parallel_loop3A_248 : vector<16xi32> -> vector<16xf32>
        %parallel_loop3A_250 = arith.constant 5.000000e-01 : f32
        %parallel_loop3A_251 = vector.broadcast %parallel_loop3A_250 : f32 to vector<16xf32>
        %parallel_loop3A_252 = arith.mulf %parallel_loop3A_251, %parallel_loop3A_241 : vector<16xf32>
        %parallel_loop3A_253 = arith.mulf %parallel_loop3A_252, %parallel_loop3A_249 : vector<16xf32>
        %parallel_loop3A_254 = arith.mulf %parallel_loop3A_253, %parallel_loop3A_249 : vector<16xf32>
        %parallel_loop3A_255 = arith.constant 1.500000e+00 : f32
        %parallel_loop3A_256 = vector.broadcast %parallel_loop3A_255 : f32 to vector<16xf32>
        %parallel_loop3A_257 = arith.subf %parallel_loop3A_256, %parallel_loop3A_254 : vector<16xf32>
        %parallel_loop3A_258 = arith.mulf %parallel_loop3A_249, %parallel_loop3A_257 : vector<16xf32>
        %parallel_loop3A_259 = arith.subf %parallel_loop3A_161, %parallel_loop3A_217 : vector<16xf32>
        %parallel_loop3A_260 = arith.mulf %parallel_loop3A_259, %parallel_loop3A_258 : vector<16xf32>
        %parallel_loop3A_261 = arith.mulf %parallel_loop3A_260, %get3A_4 : vector<16xf32>
        %parallel_loop3A_262 = arith.addf %parallel_loop3A_261, %get3A_16 : vector<16xf32>
        %parallel_loop3A_263 = arith.index_cast %parallel_loop3A_152 : i32 to index
        %parallel_loop3A_264 = arith.constant 0 : index
        %parallel_loop3A_265 = tpu.vector_load %arg12[%parallel_loop3A_263, %parallel_loop3A_264] {strides = array<i32>} : memref<200x128xf32, #tpu.memory_space<vmem>>, vector<1x16xf32>,
        %parallel_loop3A_266 = vector.shape_cast %parallel_loop3A_265 : vector<1x16xf32> to vector<16xf32>
        %parallel_loop3A_267 = vector.shape_cast %parallel_loop3A_262 : vector<16xf32> to vector<1x16xf32>
        tpu.vector_store %arg12[%parallel_loop3A_263, %parallel_loop3A_264], %parallel_loop3A_267 {strides = array<i32>} : memref<200x128xf32, #tpu.memory_space<vmem>>, vector<1x16xf32>,
        %parallel_loop3A_268 = arith.subf %parallel_loop3A_170, %parallel_loop3A_217 : vector<16xf32>
        %parallel_loop3A_269 = arith.mulf %parallel_loop3A_268, %parallel_loop3A_258 : vector<16xf32>
        %parallel_loop3A_270 = arith.mulf %parallel_loop3A_269, %get3A_7 : vector<16xf32>
        %parallel_loop3A_271 = arith.addf %parallel_loop3A_270, %get3A_19 : vector<16xf32>
        %parallel_loop3A_272 = arith.index_cast %parallel_loop3A_152 : i32 to index
        %parallel_loop3A_273 = arith.constant 16 : index
        %parallel_loop3A_274 = tpu.vector_load %arg12[%parallel_loop3A_272, %parallel_loop3A_273] {strides = array<i32>} : memref<200x128xf32, #tpu.memory_space<vmem>>, vector<1x16xf32>,
        %parallel_loop3A_275 = vector.shape_cast %parallel_loop3A_274 : vector<1x16xf32> to vector<16xf32>
        %parallel_loop3A_276 = vector.shape_cast %parallel_loop3A_271 : vector<16xf32> to vector<1x16xf32>
        tpu.vector_store %arg12[%parallel_loop3A_272, %parallel_loop3A_273], %parallel_loop3A_276 {strides = array<i32>} : memref<200x128xf32, #tpu.memory_space<vmem>>, vector<1x16xf32>,
        %parallel_loop3A_277 = arith.subf %parallel_loop3A_179, %parallel_loop3A_217 : vector<16xf32>
        %parallel_loop3A_278 = arith.mulf %parallel_loop3A_277, %parallel_loop3A_258 : vector<16xf32>
        %parallel_loop3A_279 = arith.mulf %parallel_loop3A_278, %get3A_10 : vector<16xf32>
        %parallel_loop3A_280 = arith.addf %parallel_loop3A_279, %get3A_22 : vector<16xf32>
        %parallel_loop3A_281 = arith.index_cast %parallel_loop3A_152 : i32 to index
        %parallel_loop3A_282 = arith.constant 32 : index
        %parallel_loop3A_283 = tpu.vector_load %arg12[%parallel_loop3A_281, %parallel_loop3A_282] {strides = array<i32>} : memref<200x128xf32, #tpu.memory_space<vmem>>, vector<1x16xf32>,
        %parallel_loop3A_284 = vector.shape_cast %parallel_loop3A_283 : vector<1x16xf32> to vector<16xf32>
        %parallel_loop3A_285 = vector.shape_cast %parallel_loop3A_280 : vector<16xf32> to vector<1x16xf32>
        tpu.vector_store %arg12[%parallel_loop3A_281, %parallel_loop3A_282], %parallel_loop3A_285 {strides = array<i32>} : memref<200x128xf32, #tpu.memory_space<vmem>>, vector<1x16xf32>,
        %parallel_loop3A_286 = arith.subf %parallel_loop3A_188, %parallel_loop3A_217 : vector<16xf32>
        %parallel_loop3A_287 = arith.mulf %parallel_loop3A_286, %parallel_loop3A_258 : vector<16xf32>
        %parallel_loop3A_288 = arith.mulf %parallel_loop3A_287, %get3A_13 : vector<16xf32>
        %parallel_loop3A_289 = arith.addf %parallel_loop3A_288, %get3A_25 : vector<16xf32>
        %parallel_loop3A_290 = arith.index_cast %parallel_loop3A_152 : i32 to index
        %parallel_loop3A_291 = arith.constant 48 : index
        %parallel_loop3A_292 = tpu.vector_load %arg12[%parallel_loop3A_290, %parallel_loop3A_291] {strides = array<i32>} : memref<200x128xf32, #tpu.memory_space<vmem>>, vector<1x16xf32>,
        %parallel_loop3A_293 = vector.shape_cast %parallel_loop3A_292 : vector<1x16xf32> to vector<16xf32>
        %parallel_loop3A_294 = vector.shape_cast %parallel_loop3A_289 : vector<16xf32> to vector<1x16xf32>
        tpu.vector_store %arg12[%parallel_loop3A_290, %parallel_loop3A_291], %parallel_loop3A_294 {strides = array<i32>} : memref<200x128xf32, #tpu.memory_space<vmem>>, vector<1x16xf32>,
      } {sc.loop_unroll_factor = 5 : i64, sc.parallel_access}
      %mul3A_145 = arith.constant 200 : i32
      %mul3A_146 = arith.muli %add3A_111, %mul3A_145 : i32
      %add3A_147 = arith.addi %mul3A_38, %mul3A_146 : i32
      %dma_start3A_148 = arith.constant 0 : i32
      %dma_start3A_149 = tpu.memref_slice %arg7[%add3A_147, %dma_start3A_148] : memref<819200x128xf32, #tpu.memory_space<hbm>> -> memref<200x128xf32, #tpu.memory_space<hbm>>
      %dma_start3A_150 = arith.constant 0 : i32
      %dma_start3A_151 = tpu.memref_slice %arg7[%add3A_147, %dma_start3A_150] : memref<819200x128xf32, #tpu.memory_space<hbm>> -> memref<200x128xf32, #tpu.memory_space<hbm>>
      tpu.enqueue_dma source(%arg12 : memref<200x128xf32, #tpu.memory_space<vmem>>) target(%dma_start3A_151 : memref<200x128xf32, #tpu.memory_space<hbm>>) target_semaphore(%arg19 : memref<!tpu.dma_semaphore, #tpu.memory_space<semaphore_mem>>)
    }
    %scan3A_62 = arith.constant 64 : i32
    %dma_wait3A = arith.constant 0 : i32
    %dma_wait3A_63 = tpu.memref_slice %arg7[%mul3A_38, %dma_wait3A] : memref<819200x128xf32, #tpu.memory_space<hbm>> -> memref<200x128xf32, #tpu.memory_space<hbm>>
    %dma_wait3A_64 = arith.constant 0 : i32
    %dma_wait3A_65 = tpu.memref_slice %arg7[%mul3A_38, %dma_wait3A_64] : memref<819200x128xf32, #tpu.memory_space<hbm>> -> memref<200x128xf32, #tpu.memory_space<hbm>>
    tpu.wait_dma2 semaphore(%arg18 : memref<!tpu.dma_semaphore, #tpu.memory_space<semaphore_mem>>) src(%arg11 : memref<200x128xf32, #tpu.memory_space<vmem>>) dst(%dma_wait3A_65 : memref<200x128xf32, #tpu.memory_space<hbm>>)
    %dma_wait3A_66 = arith.constant 0 : i32
    %dma_wait3A_67 = tpu.memref_slice %arg7[%mul3A_38, %dma_wait3A_66] : memref<819200x128xf32, #tpu.memory_space<hbm>> -> memref<200x128xf32, #tpu.memory_space<hbm>>
    %dma_wait3A_68 = arith.constant 0 : i32
    %dma_wait3A_69 = tpu.memref_slice %arg7[%mul3A_38, %dma_wait3A_68] : memref<819200x128xf32, #tpu.memory_space<hbm>> -> memref<200x128xf32, #tpu.memory_space<hbm>>
    tpu.wait_dma2 semaphore(%arg19 : memref<!tpu.dma_semaphore, #tpu.memory_space<semaphore_mem>>) src(%arg12 : memref<200x128xf32, #tpu.memory_space<vmem>>) dst(%dma_wait3A_69 : memref<200x128xf32, #tpu.memory_space<hbm>>)
    return
  }
}

</mosaic_0001>

<sc_bundles>
// kernel: kernel.3.cloned.1.call-start
scs
__scs_entry_jumppad:
0x0: {  	(pc) =	sbr.rel $0x88, $3  }
0x1: {  	(tag) =	ssettag $0x0;
	lr =	simm.s32 $0x1  }
0x2: {  	[smem:$0x3F9C] =	sst lr;
	_ =	strace $0xD0000000  }
0x3: {  	_ = 	snop  }
0x4: {  	_ = 	snop  }
0x5: {  	_ = 	snop  }
0x6: {  	_ = 	snop  }
0x7: {  	_ = 	snop  }
__scs_overlays_trampoline_lowered:
0x8: {  	[smem:$0x3FAB] =	sst s0  }
0x9: {  	[smem:$0x3FAC] =	sst s1  }
0xa: {  	[smem:$0x3FAD] =	sst s2  }
0xb: {  	[smem:$0x3FAE] =	sst s3  }
0xc: {  	[smem:$0x3FAF] =	sst s4  }
0xd: {  	[smem:$0x3FB0] =	sst s5  }
0xe: {  	[smem:$0x3FB1] =	sst s6  }
0xf: {  	[smem:$0x3FB2] =	sst s7  }
0x10: {  	[smem:$0x3FB3] =	sst s8  }
0x11: {  	[smem:$0x3FB4] =	sst s9;
	s0 =	simm.s32 @!p0 $0x0  }
0x12: {  	s1 =	sld [smem:$0x3F9A];
	s0 =	simm.s32 @p0 $0x1  }
0x13: {  	[smem:$0x3FB5] =	sst s0;
	s0 =	simm.s32 @!p1 $0x0  }
0x14: {  	s2 =	sld [smem:$0x3F99];
	s0 =	simm.s32 @p1 $0x1  }
0x15: {  	[smem:$0x3FB6] =	sst s0;
	s0 =	simm.s32 @!p2 $0x0  }
0x16: {  	s3 =	sld [smem:$0x3FDB];
	s0 =	simm.s32 @p2 $0x1  }
0x17: {  	s4 =	simm.s32 $0x1BF5;
	[smem:$0x3FB8] =	sst s0  }
0x18: {  	s0 =	sld [smem:$0x3F9B];
	_ =	swait.ge [sflag:s4], $0x0  }
0x19: {  	s7 =	sld [smem:$0x3F9C]  }
0x1a: {  	s8 =	sadd.s32 $0xFFFFE003, lr  }
0x1b: {  	s9 =	sadd.s32 $0xFFFFFEF7, lr;
	s5 =	simm.s32 $0xFFFFFFFF;
	p2 =	slt.u32 s8, $0xFFFFF086  }
0x1c: {  	p1 =	slt.u32 s9, $0xF7A;
	s5 =	simm.s32 @!p2 $0x0  }
0x1d: {  	s5 =	simm.s32 @p1 $0x1;
	p0 =	seq.s32 s7, s2  }
0x1e: {  	s7 =	smul.u32 @!p0 $0xF7A, s2;
	p2 =	seq.s32 @!p0 s5, $0x0  }
0x1f: {  	s9 =	smul.u32 $0xF7A, s1;
	s8 =	simm.s32 @!p0 $0x1BF5;
	p2 =	por !p2, p0  }
0x20: {  	[sflag:s8] =	ssyncset.s32 @!p0 $0xFFFFF086;
	s6 =	sadd.s32 @!p0 s3, s7;
	s7 =	simm.s32 @!p0 $0x108  }
0x21: {  	s3 =	sadd.s32 s3, s9;
	s6 =	sadd.s32 @!p0 $0x88, s6;
	s7 =	simm.s32 @p2 $0x1082  }
0x22: {  	[simem:s7], [sflag:s8] =	dma.local @!p0 [hbm:s6], $0xF7A  }
0x23: {  	s9 =	sor.u32 $0xD0000000, s2;
	s6 =	simm.s32 $0x108;
	_ =	swait.ge @!p0 [sflag:s8], $0x0  }
0x24: {  	s3 =	sadd.s32 $0x88, s3;
	s6 =	simm.s32 @!p1 $0x1082;
	[sflag:s4] =	ssyncset.s32 $0xFFFFF086  }
0x25: {  	[simem:s6], [sflag:s4] =	dma.local [hbm:s3], $0xF7A  }
0x26: {  	[smem:$0x3F9C] =	sst s1;
	(tag) =	ssettag s2;
	_ =	strace s9  }
0x27: {  	s1 =	sld [smem:$0x3FAC]  }
0x28: {  	s2 =	sld [smem:$0x3FAD]  }
0x29: {  	s4 =	sld [smem:$0x3FAF]  }
0x2a: {  	p0 =	seq.s32 s5, $0x0;
	s5 =	sld [smem:$0x3FB0]  }
0x2b: {  	s6 =	sld [smem:$0x3FB1]  }
0x2c: {  	s7 =	sld [smem:$0x3FB2]  }
0x2d: {  	s3 =	simm.s32 $0x108;
	s8 =	sld [smem:$0x3FB3]  }
0x2e: {  	s3 =	simm.s32 @!p0 $0x1082;
	s9 =	sld [smem:$0x3FB4]  }
0x2f: {  	lr =	sadd.s32 s0, s3;
	s0 =	sld [smem:$0x3FAB]  }
0x30: {  	s3 =	sld [smem:$0x3FAE]  }
0x31: {  	[smem:$0x3FB7] =	sst s10  }
0x32: {  	s10 =	sld [smem:$0x3FB5];
	_ =	sdelay $0x3  }
0x33: {  	p0 =	seq.s32 s10, $0x1;
	s10 =	sld [smem:$0x3FB7];
	_ =	sdelay $0x3  }
0x34: {  	[smem:$0x3FB7] =	sst s10  }
0x35: {  	s10 =	sld [smem:$0x3FB6];
	_ =	sdelay $0x3  }
0x36: {  	p1 =	seq.s32 s10, $0x1;
	s10 =	sld [smem:$0x3FB7];
	_ =	sdelay $0x3  }
0x37: {  	[smem:$0x3FB7] =	sst s10  }
0x38: {  	s10 =	sld [smem:$0x3FB8]  }
0x39: {  	_ = 	snop;
	(pc) =	sbr.ind lr, $3  }
0x3a: {  	_ = 	snop  }
0x3b: {  	_ = 	snop  }
0x3c: {  	p2 =	seq.s32 s10, $0x1;
	s10 =	sld [smem:$0x3FB7]  }
0x3d: {  	_ =	shalt  }
0x3e: {  	_ =	shalt  }
0x3f: {  	_ =	shalt  }
0x40: {  	_ =	shalt  }
0x41: {  	_ =	shalt  }
0x42: {  	_ =	shalt  }
0x43: {  	_ =	shalt  }
0x44: {  	_ =	shalt  }
0x45: {  	_ =	shalt  }
0x46: {  	_ =	shalt  }
0x47: {  	_ =	shalt  }
0x48: {  	_ =	shalt  }
0x49: {  	_ =	shalt  }
0x4a: {  	_ =	shalt  }
0x4b: {  	_ =	shalt  }
0x4c: {  	_ =	shalt  }
0x4d: {  	_ =	shalt  }
0x4e: {  	_ =	shalt  }
0x4f: {  	_ =	shalt  }
0x50: {  	_ =	shalt  }
0x51: {  	_ =	shalt  }
0x52: {  	_ =	shalt  }
0x53: {  	_ =	shalt  }
0x54: {  	_ =	shalt  }
0x55: {  	_ =	shalt  }
0x56: {  	_ =	shalt  }
0x57: {  	_ =	shalt  }
0x58: {  	_ =	shalt  }
0x59: {  	_ =	shalt  }
0x5a: {  	_ =	shalt  }
0x5b: {  	_ =	shalt  }
0x5c: {  	_ =	shalt  }
0x5d: {  	_ =	shalt  }
0x5e: {  	_ =	shalt  }
0x5f: {  	_ =	shalt  }
0x60: {  	_ =	shalt  }
0x61: {  	_ =	shalt  }
0x62: {  	_ =	shalt  }
0x63: {  	_ =	shalt  }
0x64: {  	_ =	shalt  }
0x65: {  	_ =	shalt  }
0x66: {  	_ =	shalt  }
0x67: {  	_ =	shalt  }
0x68: {  	_ =	shalt  }
0x69: {  	_ =	shalt  }
0x6a: {  	_ =	shalt  }
0x6b: {  	_ =	shalt  }
0x6c: {  	_ =	shalt  }
0x6d: {  	_ =	shalt  }
0x6e: {  	_ =	shalt  }
0x6f: {  	_ =	shalt  }
0x70: {  	_ =	shalt  }
0x71: {  	_ =	shalt  }
0x72: {  	_ =	shalt  }
0x73: {  	_ =	shalt  }
0x74: {  	_ =	shalt  }
0x75: {  	_ =	shalt  }
0x76: {  	_ =	shalt  }
0x77: {  	_ =	shalt  }
0x78: {  	_ =	shalt  }
0x79: {  	_ =	shalt  }
0x7a: {  	_ =	shalt  }
0x7b: {  	_ =	shalt  }
0x7c: {  	_ =	shalt  }
0x7d: {  	_ =	shalt  }
0x7e: {  	_ =	shalt  }
0x7f: {  	_ =	shalt  }
0x80: {  	_ =	shalt  }
0x81: {  	_ =	shalt  }
0x82: {  	_ =	shalt  }
0x83: {  	_ =	shalt  }
0x84: {  	_ =	shalt  }
0x85: {  	_ =	shalt  }
0x86: {  	_ =	shalt  }
0x87: {  	_ =	shalt  }
.Lfunc_end0:
.L_simem_size_0:
called_computation.1_lowered:
.L_overlay_start_0:
0x88: {  	s2 =	sld [smem:$0x3FD9]  }
0x89: {  	s3 =	sld [smem:$0x3FFE];
	_ =	sdelay $0x1  }
0x8a: {  	s1 =	srdreg.scid  }
0x8b: {  	s0 =	sand.u32 $0x1, s1  }
0x8c: {  	s17 =	sshll.u32 s0, $0xA;
	s2 =	sadd.s32 s3, s2  }
0x8d: {  	s2 =	sadd.s32 s2, s17  }
0x8e: {  	[smem:$0x3FC3] =	sst s2  }
0x8f: {  	_ = 	snop  }
0x90: {  	s2 =	sld [smem:$0x3FC6]  }
0x91: {  	s18 =	sld [smem:$0x3FC5];
	(tm) =	ssettm $0x1  }
0x92: {  	s4 =	sld [smem:$0x3FFB];
	_ =	sdelay $0x3  }
0x93: {  	_ =	strace s4  }
0x94: {  	s4 =	sld [smem:$0x3FFC];
	_ =	sdelay $0x3  }
0x95: {  	_ =	strace s4  }
0x96: {  	s4 =	sld [smem:$0x3FFD];
	_ =	sdelay $0x3  }
0x97: {  	_ =	strace s4  }
0x98: {  	_ =	strace $0x8FFFFFFF  }
0x99: {  	s19 =	sld [smem:$0x3FDB];
	_ =	sdelay $0x1  }
0x9a: {  	s5 =	simm.s32 $_scs_section_size  }
0x9b: {  	s6 =	simm.s32 $_size__tile_overlayer_lowered;
	s7 =	simm.s32 $_tile_overlayer_lowered  }
0x9c: {  	s22 =	simm.s32 $0x1BFF;
	s21 =	sshll.u32 s7, $0x1;
	s4 =	sadd.s32 s5, s19  }
0x9d: {  	s8 =	simm.s32 $0x0;
	s20 =	sshll.u32 s6, $0x1;
	s6 =	sadd.s32 s21, s4  }
0x9e: {  	[timem:s8], [sflag:s22] =	dma.local [hbm:s6], s20  }
0x9f: {  	_ =	swait.ge [sflag:s22], s20  }
0xa0: {  	s5 =	ssub.s32 $0x0, s20;
	[sflag:s22] =	ssyncset.done $0x0  }
0xa1: {  	[sflag:s22] =	ssyncadd.s32 s5;
	_ =	sdelay $0x1  }
0xa2: {  	s23 =	simm.s32 $0x1B8B  }
0xa3: {  	_ =	swait.ge [sflag:s23], $0x1  }
0xa4: {  	[sflag:s23] =	ssyncset.done $0x0  }
0xa5: {  	s25 =	simm.s32 $0x1B8E;
	s24 =	sld [smem:$0x3FFE];
	[sflag:s23] =	ssyncadd.s32 $0xFFFFFFFF  }
0xa6: {  	s26 =	simm.s32 $execute0_lowered;
	[smem:$0x3FD2] =	sst s25  }
0xa7: {  	s6 =	sshll.u32 s26, $0x1;
	_ =	strace $0x80000046;
	[dreg:$0x1] =	wrdreg $0xFFFFFFFF  }
0xa8: {  	s28 =	simm.s32 $_size_execute0_lowered;
	s4 =	sadd.s32 s4, s6;
	[dreg:$0x0] =	wrdreg $0x0  }
0xa9: {  	s6 =	sshll.u32 s28, $0x1;
	[dreg:$0x2] =	wrdreg s4  }
0xaa: {  	[dreg:$0x3] =	wrdreg s6  }
0xab: {  	[dreg:$0x4] =	wrdreg $0xC0  }
0xac: {  	_ =	task [dreg:s8], $0x5FFFF  }
0xad: {  	[dreg:$0x1] =	wrdreg $0xFFFFFFFF  }
0xae: {  	[dreg:$0x0] =	wrdreg $0x60  }
0xaf: {  	[dreg:$0x2] =	wrdreg s24  }
0xb0: {  	[dreg:$0x3] =	wrdreg s2  }
0xb1: {  	[dreg:$0x4] =	wrdreg s18  }
0xb2: {  	[dreg:$0x5] =	wrdreg $0x9  }
0xb3: {  	_ =	task.clear_ibuf [dreg:s8], $0x6FFFF;
	_ =	strace $0x90000046  }
0xb4: {  	s29 =	simm.s32 $0x9;
	_ =	strace $0x80000048  }
0xb5: {  	_ =	swait.ge [sflag:s29], $0x1  }
0xb6: {  	[sflag:s29] =	ssyncadd.s32 $0xFFFFFFFF  }
0xb7: {  	_ =	strace $0x90000048  }
0xb8: {  	_ =	sfence  }
0xb9: {  	s30 =	sld [smem:$0x0];
	_ =	sdelay $0x2  }
0xba: {  	s31 =	sshll.u32 s1, $0xD;
	s1 =	sshrl.u32 s1, $0x2  }
0xbb: {  	s3 =	sand.u32 $0x4000, s31;
	s1 =	sadd.s32 s1, s30  }
0xbc: {  	s0 =	sor.u32 s3, s0;
	s1 =	sshll.u32 s1, $0x11  }
0xbd: {  	s0 =	sor.u32 s1, s0  }
0xbe: {  	s0 =	sadd.s32 $0x8F2B, s0  }
0xbf: {  	[sflag:s0] =	ssyncadd.remote.s32 $0x1  }
0xc0: {  	_ =	sfence.sel $0xFFFF  }
0xc1: {  	[dreg:$0x0] =	wrdreg $0xFFFFFFFF;
	(pc) =	sbr.abs _section_cstart, $3  }
0xc2: {  	[dreg:$0x1] =	wrdreg $0xFFFFFFFF  }
0xc3: {  	_ =	task.clear_ibuf [dreg:s8], $0x2FFFF;
	_ =	strace $0x9FFFFFFF  }
0xc4: {  	(tm) =	ssettm $0x7FFFFFFF  }
0xc5: {  	_ =	shalt  }
tec
execute0_lowered:
.L_overlay_start_1:
0x0: {  	(tag) =	ssettag $0x1  }
0x1: {  	s0 =	rddreg [dreg:$0x0];
	v0 =	vimm.s32 $0xFEDCBA98  }
0x2: {  	s1 =	srdreg.scid;
	s2 =	stileid.u32;
	v1 =	vimm.s32 $0x76543210;
	v2 =	vimm.s32 $0xBA98FEDC;
	v3 =	vimm.s32 $0x32107654  }
0x3: {  	s4 =	simm.s32 $0x0;
	v4 =	vimm.s32 $0xDCFE98BA;
	v5 =	vimm.s32 $0x54761032;
	s11 =	simm.s32 $0x5;
	s13 =	simm.s32 $0x1C200  }
0x4: {  	v6 =	vimm.s32 $0xEFCDAB89;
	v7 =	vimm.s32 $0x67452301;
	s14 =	simm.s32 $0x1C240;
	s15 =	simm.s32 $0x80;
	s16 =	simm.s32 $0x6400  }
0x5: {  	s17 =	simm.s32 $0x48;
	s18 =	simm.s32 $0x8400;
	s19 =	simm.s32 $0x9600;
	v0 =	vunpack.c.l.s4.s8 v0;
	v1 =	vunpack.c.l.s4.s8 v1;
	v2 =	vunpack.c.l.s4.s8 v2  }
0x6: {  	s20 =	simm.s32 $0xB600;
	s21 =	simm.s32 $0x1;
	s22 =	simm.s32 $0xC800;
	v3 =	vunpack.c.l.s4.s8 v3;
	v4 =	vunpack.c.l.s4.s8 v4;
	v5 =	vunpack.c.l.s4.s8 v5  }
0x7: {  	s23 =	simm.s32 $0x2;
	s24 =	simm.s32 $0x12C00;
	s25 =	simm.s32 $0x3;
	v6 =	vunpack.c.l.s4.s8 v6;
	v7 =	vunpack.c.l.s4.s8 v7;
	v0 =	vunpack.c.0.s8.s32 v0  }
0x8: {  	s26 =	simm.s32 $0x4;
	s1 =	sand.u32 $0x1, s1;
	s2 =	sshll.u32 s2, $0x1;
	v2 =	vunpack.c.0.s8.s32 v2;
	v3 =	vunpack.c.0.s8.s32 v3;
	v4 =	vunpack.c.0.s8.s32 v4  }
0x9: {  	s28 =	simm.s32 $0x0;
	[smem:$0x7FF] =	sst s4;
	s2 =	sor.u32 s1, s2;
	v5 =	vunpack.c.0.s8.s32 v5;
	v6 =	vunpack.c.0.s8.s32 v6;
	v7 =	vunpack.c.0.s8.s32 v7  }
0xa: {  	s5 =	sadd.s32 $0x1A000, s0;
	s1 =	ssub.s32 $0x2, s1;
	s3 =	smul.u32 $0xC80, s2;
	v1 =	vunpack.c.0.s8.s32 v1;
	v2 =	vcombine.low v3, v2  }
0xb: {  	s6 =	sadd.s32 $0x800, s0;
	s7 =	sadd.s32 $0xDD600, s0;
	s31 =	sshrl.u32 s1, $0x1;
	v3 =	vcombine.low v5, v4;
	v4 =	vcombine.low v7, v6;
	v0 =	vand.u32 $0xF, v0  }
0xc: {  	_ =	strace $0x80000047;
	s1 =	ssub.s32 s1, s31;
	s0 =	sadd.s32 s3, s0;
	v0 =	vcombine.low v0, v1  }
0xd: {  	s9 =	smul.u32 $0x6400, s2;
	s10 =	smax.u32 s1, $0x1;
	s8 =	sadd.s32 $0x1000, s0;
	v1 =	vand.u32 $0xF, v2;
	v2 =	vand.u32 $0xF, v3;
	v3 =	vand.u32 $0xF, v4  }
.LBB2_1:
0xe: {  	[tilespmem:s4], [sflag:$0x5] =	stream.linear.gather [hbm4b:s8+s4], $0x6400, $0x38;
	[tilespmem:$0x1C280] =	vst v63  }
0xf: {  	_ =	swait.ge [sflag:s11], $0x6400  }
0x10: {  	[sflag:s11] =	ssyncset.done $0x0  }
0x11: {  	s0 =	simm.s32 $0x19000;
	[sflag:s11] =	ssyncadd.s32 $0xFFFF9C00  }
0x12: {  	[tilespmem:s0], [sflag:$0x5] =	stream.linear.gather [hbm4b:s6+s4], $0x3200, $0x38;
	[tilespmem:$0x1C280] =	vst v63  }
0x13: {  	_ =	swait.ge [sflag:s11], $0x3200  }
0x14: {  	[sflag:s11] =	ssyncset.done $0x0  }
0x15: {  	[sflag:s11] =	ssyncadd.s32 $0xFFFFCE00  }
0x16: {  	s30 =	rddreg [dreg:$0x1]  }
0x17: {  	[tilespmem:s13], [sflag:$0x5] =	stream.linear.gather [hbm4b:s30+s4], $0x40, $0x38;
	[tilespmem:$0x1C280] =	vst v63  }
0x18: {  	_ =	swait.ge [sflag:s11], $0x40  }
0x19: {  	[sflag:s11] =	ssyncset.done $0x0  }
0x1a: {  	[sflag:s11] =	ssyncadd.s32 $0xFFFFFFC0  }
0x1b: {  	s31 =	rddreg [dreg:$0x2]  }
0x1c: {  	[tilespmem:s14], [sflag:$0x5] =	stream.linear.gather [hbm4b:s31+s4], $0x40, $0x38;
	[tilespmem:$0x1C280] =	vst v63  }
0x1d: {  	_ =	swait.ge [sflag:s11], $0x40  }
0x1e: {  	[sflag:s11] =	ssyncset.done $0x0  }
0x1f: {  	[sflag:s11] =	ssyncadd.s32 $0xFFFFFFC0  }
0x20: {  	v4 =	vld [tilespmem:$0x1C200]  }
0x21: {  	v5 =	vld [tilespmem:$0x1C210]  }
0x22: {  	v6 =	vld [tilespmem:$0x1C220]  }
0x23: {  	v7 =	vld [tilespmem:$0x1C230]  }
0x24: {  	v8 =	vld [tilespmem:$0x1C240]  }
0x25: {  	v9 =	vld [tilespmem:$0x1C250]  }
0x26: {  	v10 =	vld [tilespmem:$0x1C260]  }
0x27: {  	v11 =	vld [tilespmem:$0x1C270];
	[tilespmem:s16], [sflag:$0x1] =	stream.indirect.gather [hbm4b:s5+s15], $0x40, s4, s15, $0xb8  }
0x28: {  	s29 =	simm.s32 $0x0  }
0x29: {  	[tilespmem:s18], [sflag:$0x1] =	stream.indirect.gather [hbm4b:s5+s17], $0x40, s15, s17, $0xb8;
	[tilespmem:$0x1C280] =	vst v63  }
.LBB2_2:
0x2a: {  	p0 =	seq.s32 s29, $0x0  }
0x2b: {  	s0 =	simm.s32 @!p0 $0x3  }
0x2c: {  	s31 =	smul.u32 $0x190, s29;
	_ =	swait.ge @!p0 [sflag:s0], $0x6400  }
0x2d: {  	[sflag:s0] =	ssyncset.done @!p0 $0x0  }
0x2e: {  	s30 =	sadd.s32 $0xC8, s31;
	[sflag:s0] =	ssyncadd.s32 @!p0 $0xFFFF9C00  }
0x2f: {  	[tilespmem:s19], [sflag:$0x2] =	stream.indirect.gather [hbm4b:s5+s15], $0x40, s30, s15, $0xb8;
	[tilespmem:$0x1C280] =	vst v63  }
0x30: {  	s2 =	sadd.s32 $0x148, s31  }
0x31: {  	[tilespmem:s20], [sflag:$0x2] =	stream.indirect.gather [hbm4b:s5+s17], $0x40, s2, s17, $0xb8;
	[tilespmem:$0x1C280] =	vst v63  }
0x32: {  	_ =	swait.ge [sflag:s21], $0x2000  }
0x33: {  	[sflag:s21] =	ssyncset.done $0x0  }
0x34: {  	[sflag:s21] =	ssyncadd.s32 $0xFFFFE000  }
0x35: {  	_ =	swait.ge [sflag:s21], $0x1200  }
0x36: {  	[sflag:s21] =	ssyncset.done $0x0  }
0x37: {  	s3 =	simm.s32 $0x64A0;
	[sflag:s21] =	ssyncadd.s32 $0xFFFFEE00  }
0x38: {  	s1 =	simm.s32 $0x190A0;
	v12 =	vld [tilespmem:s3+$0x60]  }
0x39: {  	v13 =	vld [tilespmem:s1+$0x60]  }
0x3a: {  	v15 =	vld [tilespmem:s3+$0x70]  }
0x3b: {  	v16 =	vld [tilespmem:s1+$0x70]  }
0x3c: {  	v17 =	vld [tilespmem:s3+$0x80]  }
0x3d: {  	v18 =	vld [tilespmem:s1+$0x80]  }
0x3e: {  	v19 =	vld [tilespmem:s3+$0x90]  }
0x3f: {  	v20 =	vld [tilespmem:s1+$0x90]  }
0x40: {  	v21 =	vld [tilespmem:s3+$0xFFFFFF70]  }
0x41: {  	v22 =	vld [tilespmem:s1+$0xFFFFFF70]  }
0x42: {  	v23 =	vld [tilespmem:s3+$0xFFFFFF80]  }
0x43: {  	v27 =	vld [tilespmem:s3+$0xFFFFFFA0];
	v14 =	vadd.f32 v13, v12;
	v13 =	vadd.f32 v16, v15  }
0x44: {  	v30 =	vld [tilespmem:s1+$0xFFFFFFA0];
	v12 =	vadd.f32 v18, v17;
	v18 =	vadd.f32 v20, v19  }
0x45: {  	v15 =	vld [tilespmem:s1+$0xFFFFFF80];
	v17 =	vadd.f32 v13, v14  }
0x46: {  	v16 =	vld [tilespmem:s3+$0xFFFFFF90];
	v20 =	vadd.f32 v18, v12;
	v24 =	vmul.f32 v14, v14;
	v25 =	vmul.f32 v13, v13  }
0x47: {  	v19 =	vld [tilespmem:s1+$0xFFFFFF90];
	v28 =	vmul.f32 v12, v12;
	v29 =	vmul.f32 v18, v18  }
0x48: {  	v31 =	vld [tilespmem:s3+$0xFFFFFFC0];
	v17 =	vadd.f32 v20, v17  }
0x49: {  	v20 =	vld [tilespmem:s3+$0xFFFFFFB0];
	v24 =	vadd.f32 v25, v24;
	v25 =	vadd.f32 v29, v28  }
0x4a: {  	v28 =	vld [tilespmem:s1+$0xFFFFFFB0]  }
0x4b: {  	v24 =	vadd.f32 v25, v24;
	v29 =	vperm.xlane v17, v0;
	v25 =	vadd.f32 v15, v23;
	v15 =	vld [tilespmem:s1+$0xFFFFFFC0]  }
0x4c: {  	v16 =	vadd.f32 v19, v16;
	v23 =	vld [tilespmem:s3+$0xFFFFFFD0]  }
0x4d: {  	v32 =	vadd.f32 v17, v29;
	v19 =	vperm.xlane v24, v0;
	v29 =	vadd.f32 v22, v21;
	v22 =	vld [tilespmem:s1+$0xFFFFFFD0]  }
0x4e: {  	v21 =	vmul.f32 v25, v25;
	v17 =	vadd.f32 v30, v27;
	v27 =	vmul.f32 v16, v16;
	v30 =	vld [tilespmem:s3+$0xFFFFFFE0]  }
0x4f: {  	v33 =	vperm.xlane v32, v1;
	v24 =	vadd.f32 v19, v24;
	v19 =	vadd.f32 v28, v20;
	v28 =	vld [tilespmem:s1+$0xFFFFFFE0]  }
0x50: {  	v35 =	vadd.f32 v27, v21;
	v27 =	vld [tilespmem:s3+$0xFFFFFFF0];
	v57 =	vmul.f32 v17, v17  }
0x51: {  	v20 =	vadd.f32 v15, v31;
	v31 =	vld [tilespmem:s1+$0xFFFFFFF0];
	v32 =	vadd.f32 v32, v33;
	v21 =	vperm.xlane v24, v1  }
0x52: {  	v37 =	vld [tilespmem:s3+$0x0];
	v34 =	vadd.f32 v16, v25;
	v39 =	vmul.f32 v29, v29;
	v15 =	vmul.f32 v19, v19  }
0x53: {  	v58 =	vld [tilespmem:s1+$0x0];
	v38 =	vperm.xlane v32, v2;
	v24 =	vadd.f32 v21, v24;
	v21 =	vadd.f32 v22, v23  }
0x54: {  	v41 =	vld [tilespmem:s3+$0x10];
	v36 =	vadd.f32 v19, v17;
	v40 =	vmul.f32 v20, v20;
	v22 =	vadd.f32 v28, v30  }
0x55: {  	v42 =	vld [tilespmem:s1+$0x10];
	v32 =	vadd.f32 v32, v38;
	v59 =	vperm.xlane v24, v2;
	v28 =	vadd.f32 v21, v20  }
0x56: {  	v60 =	vld [tilespmem:s1+$0x20];
	v15 =	vadd.f32 v15, v57;
	v30 =	vmul.f32 v21, v21;
	v23 =	vadd.f32 v31, v27  }
0x57: {  	v31 =	vld [tilespmem:s3+$0x20];
	v27 =	vperm.xlane v32, v3;
	v38 =	vadd.f32 v59, v24;
	v36 =	vadd.f32 v28, v36  }
0x58: {  	v61 =	vld [tilespmem:s3+$0x30];
	v28 =	vadd.f32 v30, v40;
	v30 =	vmul.f32 v22, v22;
	v24 =	vadd.f32 v58, v37  }
0x59: {  	v45 =	vld [tilespmem:s1+$0x30];
	v44 =	vadd.f32 v23, v22;
	v32 =	vadd.f32 v32, v27;
	v62 =	vperm.xlane v38, v3  }
0x5a: {  	v26 =	vld [tilespmem:s1+$0xFFFFFF60];
	v43 =	vadd.f32 v28, v15;
	v28 =	vmul.f32 v23, v23;
	v27 =	vadd.f32 v42, v41  }
0x5b: {  	v49 =	vld [tilespmem:s3+$0xFFFFFF60];
	v53 =	vperm.xlane v36, v0;
	v55 =	vmul.f32 v24, v24;
	v52 =	vadd.f32 v62, v38  }
0x5c: {  	v63 =	vld [tilespmem:s3+$0x40];
	v15 =	vmul.f32 $1.562500000e-02, v32;
	v54 =	vadd.f32 v28, v30;
	v28 =	vadd.f32 v60, v31  }
0x5d: {  	v46 =	vld [tilespmem:s1+$0x40];
	v36 =	vadd.f32 v36, v53;
	v58 =	vadd.f32 v27, v24;
	v47 =	vmul.f32 v27, v27  }
0x5e: {  	v30 =	vadd.f32 v45, v61;
	v45 =	vperm.xlane v43, v0;
	v31 =	vmul.f32 $1.562500000e-02, v52  }
0x5f: {  	v56 =	vld [tilespmem:s3+$0x50];
	v57 =	vmul.f32 v15, v15;
	v37 =	vadd.f32 v58, v44;
	v42 =	vadd.f32 v47, v55  }
0x60: {  	v48 =	vld [tilespmem:s1+$0x50];
	v59 =	vmul.f32 v28, v28;
	v47 =	vadd.f32 v26, v49;
	v18 =	vsub.f32 v18, v15  }
0x61: {  	v60 =	vmul.f32 v30, v30;
	v43 =	vadd.f32 v45, v43;
	v32 =	vsub.f32 v31, v57  }
0x62: {  	v31 =	vadd.f32 v46, v63;
	v38 =	vadd.f32 v42, v54;
	v62 =	vperm.xlane v37, v0  }
0x63: {  	v63 =	vadd.f32 v30, v28;
	v50 =	vadd.f32 v29, v47;
	v51 =	vmul.f32 v47, v47  }
0x64: {  	v33 =	vadd.f32 v60, v59;
	v60 =	vperm.xlane v36, v1;
	v49 =	vperm.xlane v43, v1  }
0x65: {  	v61 =	vadd.f32 $9.999999740e-06, v32;
	v32 =	vadd.f32 v48, v56;
	v26 =	vmul.f32 v31, v31  }
0x66: {  	v34 =	vadd.f32 v34, v50;
	v39 =	vadd.f32 v39, v51;
	v56 =	vperm.xlane v38, v0  }
0x67: {  	v37 =	vadd.f32 v37, v62;
	v36 =	vadd.f32 v36, v60;
	v53 =	vshra.s32 v61, $0x1  }
0x68: {  	v44 =	vmul.f32 $5.000000000e-01, v61;
	v48 =	vadd.f32 v32, v31;
	v54 =	vmul.f32 v32, v32  }
0x69: {  	v35 =	vadd.f32 v35, v39;
	v57 =	vperm.xlane v34, v0;
	v62 =	vperm.xlane v37, v1  }
0x6a: {  	v38 =	vadd.f32 v56, v38;
	v40 =	vsub.s32 $0x5F375A86, v53;
	v53 =	vperm.xlane v36, v2  }
0x6b: {  	v44 =	vmul.f32 v40, v44;
	v55 =	vadd.f32 v48, v63;
	v26 =	vadd.f32 v54, v26  }
0x6c: {  	v34 =	vadd.f32 v34, v57;
	v58 =	vperm.xlane v35, v0;
	v37 =	vadd.f32 v37, v62  }
0x6d: {  	v50 =	vperm.xlane v38, v1;
	v36 =	vadd.f32 v36, v53;
	v44 =	vmul.f32 v40, v44  }
0x6e: {  	v33 =	vadd.f32 v26, v33;
	v26 =	vperm.xlane v55, v0;
	v61 =	vperm.xlane v34, v1  }
0x6f: {  	v35 =	vadd.f32 v58, v35;
	v54 =	vperm.xlane v37, v2;
	v38 =	vadd.f32 v50, v38  }
0x70: {  	v44 =	vsub.f32 $1.500000000e+00, v44;
	v41 =	vadd.f32 v55, v26;
	v59 =	vperm.xlane v33, v0  }
0x71: {  	v34 =	vadd.f32 v34, v61;
	v48 =	vperm.xlane v35, v1;
	v58 =	vperm.xlane v38, v2  }
0x72: {  	v37 =	vadd.f32 v37, v54;
	v61 =	vperm.xlane v36, v3;
	v26 =	vmul.f32 v40, v44  }
0x73: {  	v63 =	vperm.xlane v41, v1;
	v33 =	vadd.f32 v59, v33;
	v51 =	vperm.xlane v34, v2  }
0x74: {  	v35 =	vadd.f32 v48, v35;
	v40 =	vadd.f32 v49, v43;
	v62 =	vperm.xlane v37, v3  }
0x75: {  	v38 =	vadd.f32 v58, v38;
	v36 =	vadd.f32 v36, v61;
	v18 =	vmul.f32 v26, v18  }
0x76: {  	v41 =	vadd.f32 v41, v63;
	v52 =	vperm.xlane v33, v1;
	v56 =	vperm.xlane v35, v2  }
0x77: {  	v34 =	vadd.f32 v34, v51;
	v57 =	vperm.xlane v40, v2;
	v50 =	vperm.xlane v38, v3  }
0x78: {  	v37 =	vadd.f32 v37, v62;
	v36 =	vmul.f32 $1.562500000e-02, v36;
	v18 =	vmul.f32 v18, v7  }
0x79: {  	v55 =	vperm.xlane v41, v2;
	v33 =	vadd.f32 v52, v33;
	v35 =	vadd.f32 v56, v35  }
0x7a: {  	v59 =	vperm.xlane v34, v3;
	v40 =	vadd.f32 v57, v40;
	v38 =	vadd.f32 v50, v38  }
0x7b: {  	v37 =	vmul.f32 $1.562500000e-02, v37;
	v17 =	vsub.f32 v17, v36;
	v19 =	vsub.f32 v19, v36  }
0x7c: {  	v54 =	vmul.f32 v36, v36;
	v21 =	vsub.f32 v21, v36;
	v18 =	vadd.f32 v18, v11  }
0x7d: {  	v39 =	vadd.f32 v41, v55;
	v60 =	vperm.xlane v33, v2;
	v34 =	vadd.f32 v34, v59  }
0x7e: {  	v48 =	vperm.xlane v35, v3;
	v49 =	vperm.xlane v40, v3;
	v22 =	vsub.f32 v22, v37  }
0x7f: {  	v38 =	vmul.f32 $1.562500000e-02, v38;
	v23 =	vsub.f32 v23, v37;
	v24 =	vsub.f32 v24, v37  }
0x80: {  	v55 =	vmul.f32 v37, v37;
	v27 =	vsub.f32 v27, v37;
	v33 =	vadd.f32 v60, v33  }
0x81: {  	v63 =	vperm.xlane v39, v3;
	v35 =	vadd.f32 v48, v35;
	v40 =	vadd.f32 v49, v40  }
0x82: {  	v34 =	vmul.f32 $1.562500000e-02, v34;
	v38 =	vsub.f32 v38, v55;
	v51 =	vperm.xlane v33, v3  }
0x83: {  	v39 =	vadd.f32 v39, v63;
	v35 =	vmul.f32 $1.562500000e-02, v35;
	v40 =	vmul.f32 $1.562500000e-02, v40  }
0x84: {  	v52 =	vmul.f32 v34, v34;
	v53 =	vsub.f32 v47, v34;
	v38 =	vadd.f32 $9.999999740e-06, v38  }
0x85: {  	v29 =	vsub.f32 v29, v34;
	v39 =	vmul.f32 $1.562500000e-02, v39;
	v40 =	vsub.f32 v40, v54  }
0x86: {  	v33 =	vadd.f32 v51, v33;
	v35 =	vsub.f32 v35, v52;
	v59 =	vshra.s32 v38, $0x1  }
0x87: {  	v38 =	vmul.f32 $5.000000000e-01, v38;
	v44 =	vsub.s32 $0x5F375A86, v59;
	v40 =	vadd.f32 $9.999999740e-06, v40  }
0x88: {  	v33 =	vmul.f32 $1.562500000e-02, v33;
	v56 =	vmul.f32 v39, v39;
	v35 =	vadd.f32 $9.999999740e-06, v35  }
0x89: {  	s12 =	simm.s32 $0x65E0;
	[tilespmem:$0x1FFD0] =	vst v18;
	v38 =	vmul.f32 v44, v38;
	v58 =	vshra.s32 v40, $0x1;
	v40 =	vmul.f32 $5.000000000e-01, v40  }
0x8a: {  	s0 =	simm.s32 $0x191E0;
	v48 =	vld [tilespmem:s12+$0x70];
	v57 =	vshra.s32 v35, $0x1;
	v35 =	vmul.f32 $5.000000000e-01, v35;
	v43 =	vsub.s32 $0x5F375A86, v58  }
0x8b: {  	v62 =	vld [tilespmem:s0+$0x70];
	v33 =	vsub.f32 v33, v56;
	v41 =	vsub.s32 $0x5F375A86, v57;
	v61 =	vmul.f32 v43, v40  }
0x8c: {  	v25 =	vsub.f32 v25, v34;
	v47 =	vld [tilespmem:s0+$0x60];
	v38 =	vmul.f32 v44, v38;
	v35 =	vmul.f32 v41, v35  }
0x8d: {  	v16 =	vsub.f32 v16, v34;
	v63 =	vld [tilespmem:s12+$0x80];
	v33 =	vadd.f32 $9.999999740e-06, v33;
	v34 =	vmul.f32 v43, v61  }
0x8e: {  	v28 =	vsub.f32 v28, v39;
	v40 =	vld [tilespmem:s12+$0x60];
	v38 =	vsub.f32 $1.500000000e+00, v38;
	v35 =	vmul.f32 v41, v35  }
0x8f: {  	v52 =	vld [tilespmem:s12+$0xFFFFFF70];
	v60 =	vshra.s32 v33, $0x1;
	v33 =	vmul.f32 $5.000000000e-01, v33;
	v34 =	vsub.f32 $1.500000000e+00, v34  }
0x90: {  	v54 =	vld [tilespmem:s0+$0xFFFFFF70];
	v38 =	vmul.f32 v44, v38;
	v45 =	vsub.s32 $0x5F375A86, v60;
	v35 =	vsub.f32 $1.500000000e+00, v35  }
0x91: {  	v59 =	vld [tilespmem:s12+$0x90];
	v60 =	vsub.f32 v14, v15;
	v33 =	vmul.f32 v45, v33;
	v34 =	vmul.f32 v43, v34  }
0x92: {  	v57 =	vld [tilespmem:s0+$0x80];
	v14 =	vadd.f32 v62, v48;
	v44 =	vmul.f32 v38, v22;
	v35 =	vmul.f32 v41, v35  }
0x93: {  	v61 =	vld [tilespmem:s12+$0xFFFFFF80];
	v33 =	vmul.f32 v45, v33;
	v51 =	vmul.f32 v34, v17;
	v17 =	vadd.f32 v47, v40  }
0x94: {  	v62 =	vsub.f32 v13, v15;
	v18 =	vmul.f32 v38, v24;
	v50 =	vmul.f32 v35, v25;
	v25 =	vld [tilespmem:s0+$0x90];
	[tilespmem:$0x1FFF0] =	vst v14  }
0x95: {  	v13 =	vmul.f32 v26, v60;
	v41 =	vmul.f32 v38, v23;
	v33 =	vsub.f32 $1.500000000e+00, v33;
	[tilespmem:$0x1FFE0] =	vst v17  }
0x96: {  	v30 =	vsub.f32 v30, v39;
	v58 =	vmul.f32 v35, v53;
	v29 =	vmul.f32 v35, v29;
	v23 =	vld [tilespmem:s0+$0xFFFFFF80]  }
0x97: {  	v31 =	vsub.f32 v31, v39;
	v35 =	vmul.f32 v35, v16;
	v33 =	vmul.f32 v45, v33;
	v24 =	vld [tilespmem:s12+$0xFFFFFF90]  }
0x98: {  	v16 =	vsub.f32 v32, v39;
	v39 =	vmul.f32 v34, v19;
	v46 =	vmul.f32 v34, v21;
	v40 =	vld [tilespmem:s12+$0xFFFFFFA0]  }
0x99: {  	v21 =	vadd.f32 v57, v63;
	v22 =	vadd.f32 v14, v17;
	v55 =	vld [tilespmem:s0+$0xFFFFFFA0];
	v19 =	vmul.f32 v33, v28  }
0x9a: {  	v28 =	vmul.f32 v17, v17;
	v17 =	vmul.f32 v33, v30;
	v30 =	vld [tilespmem:s12+$0xFFFFFFB0];
	v37 =	vadd.f32 v25, v59  }
0x9b: {  	v20 =	vsub.f32 v20, v36;
	v42 =	vmul.f32 v38, v27;
	v45 =	vmul.f32 v33, v31;
	v31 =	vld [tilespmem:s0+$0xFFFFFFB0]  }
0x9c: {  	v36 =	vmul.f32 v14, v14;
	v25 =	vld [tilespmem:s0+$0xFFFFFF90];
	[tilespmem:$0x1FFB0] =	vst v13;
	v13 =	vmul.f32 v26, v62;
	v27 =	vadd.f32 v37, v21  }
0x9d: {  	v43 =	vmul.f32 v21, v21;
	v63 =	vmul.f32 v37, v37  }
0x9e: {  	[tilespmem:$0x1FFC0] =	vst v13;
	v27 =	vadd.f32 v27, v22  }
0x9f: {  	v47 =	vmul.f32 v33, v16;
	v33 =	vld [tilespmem:s12+$0xFFFFFFC0];
	v22 =	vadd.f32 v36, v28;
	v28 =	vadd.f32 v63, v43  }
0xa0: {  	v12 =	vsub.f32 v12, v15;
	v38 =	vadd.f32 v54, v52;
	v14 =	vmul.f32 v29, v5;
	v57 =	vld [tilespmem:s0+$0xFFFFFFC0]  }
0xa1: {  	v32 =	vadd.f32 v23, v61;
	v29 =	vld [tilespmem:s12+$0xFFFFFFD0];
	v28 =	vadd.f32 v28, v22;
	v56 =	vperm.xlane v27, v0  }
0xa2: {  	v53 =	vmul.f32 v34, v20;
	v49 =	vmul.f32 v58, v4;
	v34 =	vld [tilespmem:s0+$0xFFFFFFD0];
	v25 =	vadd.f32 v25, v24  }
0xa3: {  	v48 =	vld [tilespmem:s12+$0xFFFFFFE0];
	v58 =	vmul.f32 v32, v32;
	v27 =	vadd.f32 v27, v56;
	v24 =	vperm.xlane v28, v0  }
0xa4: {  	v61 =	vld [tilespmem:s0+$0xFFFFFFE0];
	v22 =	vmul.f32 v26, v12;
	v26 =	vadd.f32 v55, v40;
	v59 =	vmul.f32 v25, v25  }
0xa5: {  	v23 =	vadd.f32 v49, v8;
	v43 =	vld [tilespmem:s12+$0x0];
	v60 =	vperm.xlane v27, v1;
	v28 =	vadd.f32 v24, v28  }
0xa6: {  	v40 =	vld [tilespmem:s0+$0xFFFFFFF0];
	v63 =	vmul.f32 v26, v26;
	v55 =	vadd.f32 v59, v58;
	v24 =	vadd.f32 v31, v30  }
0xa7: {  	v58 =	vmul.f32 v35, v7;
	v30 =	vld [tilespmem:s12+$0xFFFFFFF0];
	v31 =	vadd.f32 v27, v60;
	v62 =	vperm.xlane v28, v1  }
0xa8: {  	v35 =	vld [tilespmem:s12+$0x10];
	v27 =	vadd.f32 v57, v33;
	v60 =	vmul.f32 v24, v24;
	v52 =	vadd.f32 v24, v26  }
0xa9: {  	v57 =	vld [tilespmem:s0+$0x0];
	v56 =	vperm.xlane v31, v2;
	v36 =	vadd.f32 v62, v28;
	v28 =	vadd.f32 v34, v29  }
0xaa: {  	v18 =	vmul.f32 v18, v6;
	v59 =	vld [tilespmem:s0+$0x10];
	v34 =	vadd.f32 v60, v63;
	v29 =	vadd.f32 v61, v48  }
0xab: {  	v60 =	vld [tilespmem:s12+$0x20];
	v49 =	vadd.f32 v31, v56;
	v56 =	vperm.xlane v36, v2;
	v48 =	vadd.f32 v28, v27  }
0xac: {  	v33 =	vmul.f32 v27, v27;
	v54 =	vmul.f32 v28, v28;
	v31 =	vadd.f32 v40, v30;
	v40 =	vld [tilespmem:s0+$0x20]  }
0xad: {  	v61 =	vld [tilespmem:s0+$0x30];
	v30 =	vperm.xlane v49, v3;
	v36 =	vadd.f32 v56, v36;
	v48 =	vadd.f32 v48, v52  }
0xae: {  	v52 =	vadd.f32 v54, v33;
	v54 =	vld [tilespmem:s12+$0x30];
	v56 =	vmul.f32 v29, v29;
	v33 =	vadd.f32 v57, v43  }
0xaf: {  	v43 =	vmul.f32 v31, v31;
	v30 =	vadd.f32 v49, v30;
	v49 =	vperm.xlane v36, v3  }
0xb0: {  	v63 =	vld [tilespmem:s12+$0x50];
	v52 =	vadd.f32 v52, v34;
	v34 =	vadd.f32 v59, v35;
	v59 =	vperm.xlane v48, v0  }
0xb1: {  	v57 =	vld [tilespmem:s12+$0x40];
	v62 =	vadd.f32 v31, v29;
	v12 =	vmul.f32 v33, v33;
	v35 =	vadd.f32 v40, v60  }
0xb2: {  	v60 =	vld [tilespmem:s0+$0x50];
	v30 =	vmul.f32 $1.562500000e-02, v30;
	v36 =	vadd.f32 v49, v36;
	v59 =	vadd.f32 v48, v59  }
0xb3: {  	v49 =	vld [tilespmem:s0+$0x40];
	v48 =	vadd.f32 v34, v33;
	v54 =	vadd.f32 v61, v54;
	v61 =	vmul.f32 v34, v34  }
0xb4: {  	v13 =	vld [tilespmem:s12+$0xFFFFFF60];
	v56 =	vadd.f32 v43, v56;
	v40 =	vmul.f32 $1.562500000e-02, v36;
	v43 =	vmul.f32 v30, v30  }
0xb5: {  	v41 =	vmul.f32 v41, v5;
	v20 =	vadd.f32 v58, v11;
	v36 =	vld [tilespmem:s0+$0xFFFFFF60];
	v62 =	vadd.f32 v48, v62  }
0xb6: {  	v15 =	vmul.f32 v39, v5;
	v12 =	vadd.f32 v61, v12;
	v40 =	vsub.f32 v40, v43  }
0xb7: {  	v16 =	vmul.f32 v53, v6;
	v43 =	vadd.f32 v14, v9;
	v14 =	vadd.f32 v25, v32  }
0xb8: {  	v61 =	vmul.f32 v35, v35;
	v39 =	vadd.f32 v60, v63;
	v53 =	vadd.f32 v49, v57  }
0xb9: {  	v63 =	vmul.f32 v54, v54;
	v56 =	vadd.f32 v12, v56;
	v12 =	vadd.f32 v54, v35  }
0xba: {  	v57 =	vmul.f32 v46, v7;
	v36 =	vadd.f32 v36, v13;
	v13 =	vadd.f32 v39, v53  }
0xbb: {  	v60 =	vadd.f32 v63, v61;
	v48 =	vmul.f32 v39, v39;
	v46 =	vmul.f32 v53, v53  }
0xbc: {  	v50 =	vmul.f32 v50, v6;
	v63 =	vadd.f32 v13, v12;
	v12 =	vadd.f32 v38, v36  }
0xbd: {  	v51 =	vmul.f32 v51, v4;
	v40 =	vadd.f32 $9.999999740e-06, v40;
	v46 =	vadd.f32 v48, v46  }
0xbe: {  	v13 =	vmul.f32 v38, v38;
	v48 =	vadd.f32 v14, v12;
	v12 =	vmul.f32 v36, v36  }
0xbf: {  	v37 =	vsub.f32 v37, v30;
	v21 =	vsub.f32 v21, v30;
	v61 =	vmul.f32 v44, v4  }
0xc0: {  	v44 =	vadd.f32 v50, v10;
	v14 =	vmul.f32 $5.000000000e-01, v40;
	v50 =	vadd.f32 v13, v12  }
0xc1: {  	v12 =	vshra.s32 v40, $0x1;
	v40 =	vmul.f32 v19, v4;
	v13 =	vmul.f32 v17, v5  }
0xc2: {  	v17 =	vsub.s32 $0x5F375A86, v12;
	v12 =	vmul.f32 v45, v6;
	v45 =	vadd.f32 v15, v9  }
0xc3: {  	v15 =	vadd.f32 v46, v60;
	v60 =	vperm.xlane v48, v0;
	v58 =	vmul.f32 v17, v14  }
0xc4: {  	v49 =	vadd.f32 v51, v8;
	v14 =	vmul.f32 v47, v7;
	v47 =	vperm.xlane v62, v0  }
0xc5: {  	v46 =	vadd.f32 v16, v10;
	v48 =	vadd.f32 v48, v60;
	v60 =	vperm.xlane v52, v0  }
0xc6: {  	v16 =	vadd.f32 v55, v50;
	v51 =	vmul.f32 v17, v58;
	v55 =	vadd.f32 v62, v47  }
0xc7: {  	v62 =	vperm.xlane v63, v0;
	v52 =	vadd.f32 v60, v52;
	v60 =	vperm.xlane v48, v1  }
0xc8: {  	v47 =	vadd.f32 v57, v11;
	v58 =	vperm.xlane v56, v0;
	v51 =	vsub.f32 $1.500000000e+00, v51  }
0xc9: {  	v57 =	vadd.f32 v63, v62;
	v48 =	vadd.f32 v48, v60;
	v60 =	vperm.xlane v55, v1  }
0xca: {  	v50 =	vadd.f32 v61, v8;
	v17 =	vmul.f32 v17, v51;
	v51 =	vperm.xlane v16, v0  }
0xcb: {  	v56 =	vadd.f32 v58, v56;
	v58 =	vperm.xlane v59, v1;
	v61 =	vperm.xlane v57, v1  }
0xcc: {  	v55 =	vadd.f32 v55, v60;
	v16 =	vadd.f32 v51, v16;
	v51 =	vperm.xlane v15, v0  }
0xcd: {  	v60 =	vperm.xlane v56, v1;
	v62 =	vperm.xlane v48, v2;
	v57 =	vadd.f32 v57, v61  }
0xce: {  	v61 =	vadd.f32 v18, v10;
	v37 =	vmul.f32 v17, v37;
	v15 =	vadd.f32 v51, v15  }
0xcf: {  	v51 =	vadd.f32 v41, v9;
	v41 =	vadd.f32 v59, v58;
	v58 =	vperm.xlane v16, v1  }
0xd0: {  	v56 =	vadd.f32 v60, v56;
	v60 =	vperm.xlane v55, v2;
	v59 =	vperm.xlane v52, v1  }
0xd1: {  	v48 =	vadd.f32 v48, v62;
	v16 =	vadd.f32 v58, v16;
	v63 =	vperm.xlane v41, v2  }
0xd2: {  	v62 =	vperm.xlane v57, v2;
	v58 =	vperm.xlane v15, v1;
	v18 =	vadd.f32 v59, v52  }
0xd3: {  	v55 =	vadd.f32 v55, v60;
	v41 =	vadd.f32 v41, v63;
	v63 =	vperm.xlane v16, v2  }
0xd4: {  	v52 =	vadd.f32 v57, v62;
	v15 =	vadd.f32 v58, v15;
	v60 =	vperm.xlane v18, v2  }
0xd5: {  	v62 =	vperm.xlane v56, v2;
	v16 =	vadd.f32 v63, v16;
	v63 =	vperm.xlane v48, v3  }
0xd6: {  	v37 =	vmul.f32 v37, v7;
	v18 =	vadd.f32 v60, v18;
	v60 =	vperm.xlane v15, v2  }
0xd7: {  	v56 =	vadd.f32 v62, v56;
	v62 =	vperm.xlane v41, v3;
	v48 =	vadd.f32 v48, v63  }
0xd8: {  	v63 =	vperm.xlane v55, v3;
	v15 =	vadd.f32 v60, v15;
	v60 =	vperm.xlane v52, v3  }
0xd9: {  	v58 =	vperm.xlane v56, v3;
	v41 =	vadd.f32 v41, v62;
	v62 =	vperm.xlane v16, v3  }
0xda: {  	v59 =	vperm.xlane v18, v3;
	v55 =	vadd.f32 v55, v63;
	v52 =	vadd.f32 v52, v60  }
0xdb: {  	v16 =	vadd.f32 v62, v16;
	v57 =	vperm.xlane v15, v3;
	v60 =	vadd.f32 v37, v11  }
0xdc: {  	v37 =	vmul.f32 $1.562500000e-02, v48;
	v41 =	vmul.f32 $1.562500000e-02, v41;
	v18 =	vadd.f32 v59, v18  }
0xdd: {  	v48 =	vadd.f32 v58, v56;
	v55 =	vmul.f32 $1.562500000e-02, v55;
	v16 =	vmul.f32 $1.562500000e-02, v16  }
0xde: {  	v52 =	vmul.f32 $1.562500000e-02, v52;
	v15 =	vadd.f32 v57, v15;
	v63 =	vmul.f32 v37, v37  }
0xdf: {  	v36 =	vsub.f32 v36, v37;
	v18 =	vmul.f32 $1.562500000e-02, v18;
	v62 =	vmul.f32 v41, v41  }
0xe0: {  	v38 =	vsub.f32 v38, v37;
	v48 =	vmul.f32 $1.562500000e-02, v48;
	v16 =	vsub.f32 v16, v63  }
0xe1: {  	v59 =	vsub.f32 v32, v37;
	v56 =	vmul.f32 v55, v55;
	v18 =	vsub.f32 v18, v62  }
0xe2: {  	v19 =	vld [tilespmem:$0x1FFD0];
	v58 =	vmul.f32 $1.562500000e-02, v15;
	v63 =	vmul.f32 v52, v52;
	v62 =	vadd.f32 $9.999999740e-06, v16  }
0xe3: {  	v48 =	vsub.f32 v48, v56;
	v18 =	vadd.f32 $9.999999740e-06, v18  }
0xe4: {  	v25 =	vsub.f32 v25, v37;
	v32 =	vsub.f32 v58, v63;
	v63 =	vshra.s32 v62, $0x1  }
0xe5: {  	v57 =	vmul.f32 $5.000000000e-01, v62;
	v48 =	vadd.f32 $9.999999740e-06, v48;
	v58 =	vshra.s32 v18, $0x1  }
0xe6: {  	s2 =	simm.s32 $0xC920;
	v15 =	vld [tilespmem:$0x1FFB0];
	v18 =	vmul.f32 $5.000000000e-01, v18;
	v32 =	vadd.f32 $9.999999740e-06, v32;
	v56 =	vsub.s32 $0x5F375A86, v63  }
0xe7: {  	v16 =	vld [tilespmem:$0x1FFC0];
	[tilespmem:s2+$0x110] =	vst v19;
	v58 =	vsub.s32 $0x5F375A86, v58;
	v62 =	vshra.s32 v48, $0x1;
	v48 =	vmul.f32 $5.000000000e-01, v48  }
0xe8: {  	[tilespmem:s2+$0xFFFFFEE0] =	vst v23;
	v37 =	vshra.s32 v32, $0x1;
	v32 =	vmul.f32 $5.000000000e-01, v32;
	v57 =	vmul.f32 v56, v57  }
0xe9: {  	[tilespmem:s2+$0xFFFFFEF0] =	vst v43;
	v18 =	vmul.f32 v58, v18;
	v62 =	vsub.s32 $0x5F375A86, v62;
	v37 =	vsub.s32 $0x5F375A86, v37  }
0xea: {  	[tilespmem:s2+$0xFFFFFF00] =	vst v44;
	v63 =	vsub.f32 v26, v41;
	v48 =	vmul.f32 v62, v48;
	v26 =	vmul.f32 v37, v32  }
0xeb: {  	v34 =	vsub.f32 v34, v55;
	[tilespmem:s2+$0xFFFFFF10] =	vst v20;
	v57 =	vmul.f32 v56, v57;
	v23 =	vmul.f32 v58, v18  }
0xec: {  	v19 =	vsub.f32 v24, v41;
	[tilespmem:s2+$0xFFFFFF60] =	vst v49;
	v24 =	vmul.f32 v62, v48;
	v26 =	vmul.f32 v37, v26  }
0xed: {  	[tilespmem:s2+$0xFFFFFF70] =	vst v45;
	v18 =	vmul.f32 v22, v6;
	v48 =	vsub.f32 $1.500000000e+00, v57;
	v22 =	vsub.f32 $1.500000000e+00, v23  }
0xee: {  	v42 =	vmul.f32 v42, v7;
	[tilespmem:s2+$0xFFFFFF80] =	vst v46;
	v23 =	vsub.f32 $1.500000000e+00, v24;
	v24 =	vsub.f32 $1.500000000e+00, v26  }
0xef: {  	v44 =	vsub.f32 v31, v55;
	[tilespmem:s2+$0xFFFFFF90] =	vst v47;
	v15 =	vmul.f32 v15, v4;
	v20 =	vmul.f32 v56, v48  }
0xf0: {  	[tilespmem:s2+$0xFFFFFFE0] =	vst v50;
	v58 =	vmul.f32 v58, v22;
	v48 =	vsub.f32 v29, v55;
	v24 =	vmul.f32 v37, v24  }
0xf1: {  	v29 =	vsub.f32 v35, v52;
	v22 =	vld [tilespmem:$0x1FFE0];
	[tilespmem:s2+$0xFFFFFFF0] =	vst v51;
	v43 =	vmul.f32 v20, v36;
	v35 =	vmul.f32 v20, v38  }
0xf2: {  	v31 =	vsub.f32 v54, v52;
	v36 =	vmul.f32 v20, v59;
	v37 =	vmul.f32 v20, v25;
	v20 =	vld [tilespmem:$0x1FFF0]  }
0xf3: {  	v16 =	vmul.f32 v16, v5;
	v32 =	vsub.f32 v33, v55;
	v57 =	vsub.f32 v27, v41  }
0xf4: {  	v41 =	vsub.f32 v28, v41;
	v27 =	vsub.f32 v53, v52;
	v26 =	vmul.f32 v62, v23  }
0xf5: {  	v28 =	vsub.f32 v39, v52;
	v33 =	vmul.f32 v58, v63;
	v23 =	vmul.f32 v58, v19  }
0xf6: {  	s1 =	simm.s32 $0xCBA0;
	[tilespmem:s2+$0x0] =	vst v61;
	v38 =	vadd.f32 v42, v11;
	v19 =	vmul.f32 v58, v41;
	v22 =	vsub.f32 v22, v30  }
0xf7: {  	s3 =	simm.s32 $0x5;
	s12 =	simm.s32 $0x6720;
	[tilespmem:s1+$0x110] =	vst v60;
	v25 =	vsub.f32 v20, v30;
	v30 =	vmul.f32 v58, v57;
	v20 =	vadd.f32 v40, v8  }
.LBB2_3:
0xf8: {  	v39 =	vld [tilespmem:s12+$0x60];
	v40 =	vmul.f32 v26, v48;
	v41 =	vmul.f32 v26, v44;
	s0 =	sadd.s32 $0x140, s0;
	[tilespmem:s2+$0x10] =	vst v38;
	v13 =	vadd.f32 v13, v9  }
0xf9: {  	v32 =	vmul.f32 v26, v32;
	v26 =	vmul.f32 v26, v34;
	v12 =	vadd.f32 v12, v10;
	v38 =	vld [tilespmem:s0+$0x60];
	[tilespmem:s2+$0x60] =	vst v20  }
0xfa: {  	v29 =	vmul.f32 v24, v29;
	v31 =	vmul.f32 v24, v31;
	v20 =	vld [tilespmem:s12+$0x70];
	[tilespmem:s2+$0x70] =	vst v13;
	v13 =	vadd.f32 v14, v11  }
0xfb: {  	v27 =	vmul.f32 v24, v27;
	v24 =	vmul.f32 v24, v28;
	v14 =	vld [tilespmem:s0+$0x70];
	[tilespmem:s2+$0x80] =	vst v12;
	v12 =	vadd.f32 v15, v8  }
0xfc: {  	v28 =	vmul.f32 v17, v22;
	v25 =	vmul.f32 v17, v25;
	v15 =	vld [tilespmem:s12+$0x80];
	[tilespmem:s2+$0x90] =	vst v13;
	v13 =	vadd.f32 v16, v9  }
0xfd: {  	v22 =	vmul.f32 v43, v4;
	v34 =	vmul.f32 v17, v21;
	v16 =	vld [tilespmem:s0+$0x80];
	[tilespmem:s2+$0xE0] =	vst v12;
	v12 =	vadd.f32 v18, v10  }
0xfe: {  	v21 =	vmul.f32 v35, v5;
	v35 =	vmul.f32 v36, v6;
	v18 =	vld [tilespmem:s12+$0x90];
	[tilespmem:s2+$0xF0] =	vst v13  }
0xff: {  	v36 =	vmul.f32 v37, v7;
	v33 =	vmul.f32 v33, v4;
	v22 =	vadd.f32 v22, v8;
	v13 =	vld [tilespmem:s0+$0x90];
	[tilespmem:s2+$0x100] =	vst v12;
	s2 =	smov.u32 s1  }
0x100: {  	s3 =	sadd.s32 $0x5, s3;
	v37 =	vmul.f32 v23, v5;
	v43 =	vmul.f32 v30, v6;
	v12 =	vadd.f32 v21, v9;
	v17 =	vld [tilespmem:s0+$0xFFFFFF60]  }
0x101: {  	p1 =	slt.u32 s3, $0xC3;
	v23 =	vadd.f32 v35, v10;
	v35 =	vmul.f32 v19, v7;
	v44 =	vmul.f32 v40, v4;
	v30 =	vld [tilespmem:s12+$0xFFFFFF70];
	[tilespmem:s1+$0xFFFFFEE0] =	vst v22  }
0x102: {  	v32 =	vmul.f32 v32, v6;
	v42 =	vld [tilespmem:s0+$0xFFFFFF70];
	[tilespmem:s1+$0xFFFFFEF0] =	vst v12;
	v12 =	vadd.f32 v36, v11;
	v36 =	vmul.f32 v41, v5  }
0x103: {  	v19 =	vmul.f32 v26, v7;
	v21 =	vadd.f32 v14, v20;
	v22 =	vadd.f32 v38, v39;
	v45 =	vld [tilespmem:s12+$0xFFFFFF80];
	[tilespmem:s1+$0xFFFFFF00] =	vst v23  }
0x104: {  	v20 =	vmul.f32 v29, v4;
	v23 =	vadd.f32 v16, v15;
	v26 =	vld [tilespmem:s0+$0xFFFFFF80];
	v40 =	vadd.f32 v13, v18;
	[tilespmem:s1+$0xFFFFFF10] =	vst v12  }
0x105: {  	v14 =	vadd.f32 v21, v22;
	v13 =	vmul.f32 v31, v5;
	v12 =	vmul.f32 v27, v6;
	v29 =	vld [tilespmem:s12+$0xFFFFFF90]  }
0x106: {  	v16 =	vmul.f32 v22, v22;
	v18 =	vmul.f32 v21, v21;
	v31 =	vld [tilespmem:s0+$0xFFFFFF90];
	v15 =	vadd.f32 v40, v23  }
0x107: {  	v39 =	vmul.f32 v40, v40;
	v27 =	vadd.f32 v42, v30;
	v38 =	vld [tilespmem:s12+$0xFFFFFFA0];
	v30 =	vmul.f32 v23, v23  }
0x108: {  	v42 =	vld [tilespmem:s0+$0xFFFFFFA0];
	v46 =	vadd.f32 v15, v14;
	v14 =	vmul.f32 v24, v7;
	v15 =	vmul.f32 v28, v4  }
0x109: {  	v47 =	vadd.f32 v18, v16;
	v41 =	vmul.f32 v27, v27;
	v28 =	vld [tilespmem:s12+$0xFFFFFFB0];
	v39 =	vadd.f32 v39, v30  }
0x10a: {  	v16 =	vmul.f32 v25, v5;
	v18 =	vmul.f32 v34, v6;
	v30 =	vadd.f32 v26, v45;
	v26 =	vld [tilespmem:s0+$0xFFFFFFB0]  }
0x10b: {  	v34 =	vperm.xlane v46, v0;
	v24 =	vadd.f32 v31, v29;
	v29 =	vld [tilespmem:s12+$0xFFFFFFC0];
	v31 =	vadd.f32 v39, v47  }
0x10c: {  	v33 =	vadd.f32 v33, v8;
	v37 =	vadd.f32 v37, v9;
	v39 =	vmul.f32 v30, v30;
	v45 =	vld [tilespmem:s0+$0xFFFFFFC0]  }
0x10d: {  	v34 =	vadd.f32 v46, v34;
	v25 =	vadd.f32 v42, v38;
	v38 =	vld [tilespmem:s12+$0xFFFFFFD0];
	v46 =	vperm.xlane v31, v0  }
0x10e: {  	v42 =	vadd.f32 v24, v30;
	v47 =	vmul.f32 v24, v24;
	v48 =	vld [tilespmem:s0+$0xFFFFFFD0];
	[tilespmem:s1+$0xFFFFFF60] =	vst v33;
	v33 =	vadd.f32 v43, v10  }
0x10f: {  	v49 =	vperm.xlane v34, v1;
	v26 =	vadd.f32 v26, v28;
	v43 =	vld [tilespmem:s12+$0xFFFFFFE0];
	v31 =	vadd.f32 v46, v31;
	[tilespmem:s1+$0xFFFFFF70] =	vst v37  }
0x110: {  	v46 =	vadd.f32 v47, v39;
	v37 =	vmul.f32 v25, v25;
	v39 =	vld [tilespmem:s0+$0xFFFFFFE0];
	[tilespmem:s1+$0xFFFFFF80] =	vst v33;
	v33 =	vadd.f32 v35, v11  }
0x111: {  	v34 =	vadd.f32 v34, v49;
	v28 =	vadd.f32 v45, v29;
	v35 =	vld [tilespmem:s12+$0xFFFFFFF0];
	v45 =	vperm.xlane v31, v1  }
0x112: {  	v47 =	vadd.f32 v26, v25;
	v49 =	vmul.f32 v26, v26;
	v50 =	vld [tilespmem:s0+$0xFFFFFFF0];
	[tilespmem:s1+$0xFFFFFF90] =	vst v33;
	v33 =	vadd.f32 v44, v8  }
0x113: {  	v44 =	vperm.xlane v34, v2;
	v29 =	vadd.f32 v48, v38;
	v38 =	vld [tilespmem:s12+$0x0];
	v45 =	vadd.f32 v45, v31  }
0x114: {  	v37 =	vadd.f32 v49, v37;
	v48 =	vmul.f32 v28, v28;
	v49 =	vld [tilespmem:s0+$0x0];
	[tilespmem:s1+$0xFFFFFFE0] =	vst v33;
	v33 =	vadd.f32 v36, v9  }
0x115: {  	v31 =	vadd.f32 v39, v43;
	v36 =	vld [tilespmem:s12+$0x10];
	v39 =	vadd.f32 v34, v44;
	v34 =	vperm.xlane v45, v2  }
0x116: {  	v43 =	vadd.f32 v29, v28;
	v44 =	vmul.f32 v29, v29;
	v51 =	vld [tilespmem:s0+$0x10];
	[tilespmem:s1+$0xFFFFFFF0] =	vst v33;
	v33 =	vadd.f32 v32, v10  }
0x117: {  	v32 =	vadd.f32 v50, v35;
	v50 =	vld [tilespmem:s12+$0x20];
	v35 =	vperm.xlane v39, v3;
	v45 =	vadd.f32 v34, v45  }
0x118: {  	v43 =	vadd.f32 v43, v47;
	v44 =	vadd.f32 v44, v48;
	v47 =	vmul.f32 v31, v31;
	v48 =	vld [tilespmem:s0+$0x20];
	[tilespmem:s1+$0x0] =	vst v33  }
0x119: {  	v34 =	vadd.f32 v49, v38;
	v38 =	vld [tilespmem:s12+$0x30];
	v33 =	vadd.f32 v39, v35;
	v39 =	vperm.xlane v45, v3  }
0x11a: {  	v44 =	vadd.f32 v44, v37;
	v49 =	vadd.f32 v32, v31;
	v37 =	vmul.f32 v32, v32;
	v52 =	vld [tilespmem:s0+$0x30]  }
0x11b: {  	v35 =	vadd.f32 v51, v36;
	v51 =	vld [tilespmem:s12+$0x40];
	v33 =	vmul.f32 $1.562500000e-02, v33;
	v39 =	vadd.f32 v39, v45  }
0x11c: {  	v45 =	vperm.xlane v43, v0;
	v47 =	vadd.f32 v37, v47;
	v53 =	vmul.f32 v34, v34;
	v54 =	vld [tilespmem:s0+$0x40]  }
0x11d: {  	v36 =	vadd.f32 v48, v50;
	v48 =	vld [tilespmem:s12+$0x50];
	v39 =	vmul.f32 $1.562500000e-02, v39;
	v50 =	vmul.f32 v33, v33  }
0x11e: {  	v43 =	vadd.f32 v43, v45;
	v45 =	vadd.f32 v35, v34;
	v55 =	vmul.f32 v35, v35;
	v56 =	vld [tilespmem:s0+$0x50]  }
0x11f: {  	v57 =	vld [tilespmem:s12+$0xFFFFFF60];
	v37 =	vadd.f32 v52, v38;
	v52 =	vmul.f32 v36, v36;
	v39 =	vsub.f32 v39, v50  }
0x120: {  	v50 =	vperm.xlane v44, v0;
	v45 =	vadd.f32 v45, v49;
	v49 =	vadd.f32 v55, v53  }
0x121: {  	v38 =	vadd.f32 v54, v51;
	v51 =	vmul.f32 v37, v37;
	v53 =	vadd.f32 $9.999999740e-06, v39  }
0x122: {  	v47 =	vadd.f32 v49, v47;
	v49 =	vperm.xlane v45, v0;
	v54 =	vadd.f32 v37, v36  }
0x123: {  	v39 =	vadd.f32 v56, v48;
	v48 =	vshra.s32 v53, $0x1;
	v53 =	vmul.f32 $5.000000000e-01, v53  }
0x124: {  	v55 =	vadd.f32 v17, v57;
	v17 =	vmul.f32 v38, v38;
	v48 =	vsub.s32 $0x5F375A86, v48  }
0x125: {  	v56 =	vadd.f32 v39, v38;
	v57 =	vmul.f32 v39, v39;
	v53 =	vmul.f32 v48, v53  }
0x126: {  	v51 =	vadd.f32 v51, v52;
	v58 =	vadd.f32 v27, v55;
	v59 =	vmul.f32 v55, v55  }
0x127: {  	v52 =	vadd.f32 v56, v54;
	v17 =	vadd.f32 v57, v17;
	v53 =	vmul.f32 v48, v53  }
0x128: {  	v54 =	vperm.xlane v47, v0;
	v42 =	vadd.f32 v42, v58;
	v41 =	vadd.f32 v41, v59  }
0x129: {  	v51 =	vadd.f32 v17, v51;
	v17 =	vperm.xlane v52, v0;
	v53 =	vsub.f32 $1.500000000e+00, v53  }
0x12a: {  	v45 =	vadd.f32 v45, v49;
	v41 =	vadd.f32 v46, v41;
	v46 =	vperm.xlane v42, v0  }
0x12b: {  	v40 =	vsub.f32 v40, v33;
	v49 =	vadd.f32 v52, v17;
	v17 =	vmul.f32 v48, v53  }
0x12c: {  	v48 =	vperm.xlane v51, v0;
	v42 =	vadd.f32 v42, v46;
	v46 =	vperm.xlane v41, v0  }
0x12d: {  	v44 =	vadd.f32 v50, v44;
	v52 =	vperm.xlane v43, v1;
	v40 =	vmul.f32 v17, v40  }
0x12e: {  	v50 =	vperm.xlane v42, v1;
	v41 =	vadd.f32 v46, v41;
	v46 =	vperm.xlane v45, v1  }
0x12f: {  	v47 =	vadd.f32 v54, v47;
	v53 =	vperm.xlane v49, v1;
	v40 =	vmul.f32 v40, v7  }
0x130: {  	v48 =	vadd.f32 v48, v51;
	v42 =	vadd.f32 v42, v50;
	v50 =	vperm.xlane v41, v1  }
0x131: {  	v43 =	vadd.f32 v43, v52;
	v51 =	vperm.xlane v44, v1;
	v40 =	vadd.f32 v40, v11  }
0x132: {  	s1 =	sadd.s32 $0x280, s1;
	v49 =	vadd.f32 v49, v53;
	v45 =	vadd.f32 v45, v46;
	v46 =	vperm.xlane v47, v1  }
0x133: {  	v52 =	vperm.xlane v42, v2;
	v41 =	vadd.f32 v50, v41;
	v50 =	vperm.xlane v48, v1;
	[tilespmem:s1+$0x110] =	vst v40  }
0x134: {  	v44 =	vadd.f32 v51, v44;
	v51 =	vperm.xlane v45, v2;
	v40 =	vperm.xlane v43, v2  }
0x135: {  	v46 =	vadd.f32 v46, v47;
	v47 =	vperm.xlane v49, v2;
	v48 =	vadd.f32 v50, v48  }
0x136: {  	v42 =	vadd.f32 v42, v52;
	v50 =	vperm.xlane v41, v2;
	v40 =	vadd.f32 v43, v40  }
0x137: {  	v45 =	vadd.f32 v45, v51;
	v51 =	vperm.xlane v46, v2;
	v43 =	vperm.xlane v44, v2  }
0x138: {  	v47 =	vadd.f32 v49, v47;
	v52 =	vperm.xlane v42, v3;
	v49 =	vperm.xlane v48, v2  }
0x139: {  	v41 =	vadd.f32 v50, v41;
	v50 =	vperm.xlane v40, v3;
	v43 =	vadd.f32 v43, v44  }
0x13a: {  	v46 =	vadd.f32 v51, v46;
	v51 =	vperm.xlane v47, v3;
	v44 =	vperm.xlane v45, v3  }
0x13b: {  	v42 =	vadd.f32 v42, v52;
	v52 =	vperm.xlane v41, v3;
	v48 =	vadd.f32 v49, v48  }
0x13c: {  	v40 =	vadd.f32 v40, v50;
	v49 =	vperm.xlane v43, v3;
	v44 =	vadd.f32 v45, v44  }
0x13d: {  	v47 =	vadd.f32 v47, v51;
	v45 =	vperm.xlane v46, v3;
	v50 =	vperm.xlane v48, v3  }
0x13e: {  	v42 =	vmul.f32 $1.562500000e-02, v42;
	v41 =	vadd.f32 v52, v41;
	v40 =	vmul.f32 $1.562500000e-02, v40  }
0x13f: {  	v43 =	vadd.f32 v49, v43;
	v49 =	vmul.f32 $1.562500000e-02, v44;
	v44 =	vadd.f32 v45, v46  }
0x140: {  	v45 =	vmul.f32 $1.562500000e-02, v47;
	v41 =	vmul.f32 $1.562500000e-02, v41;
	v46 =	vadd.f32 v50, v48  }
0x141: {  	v47 =	vmul.f32 v42, v42;
	v50 =	vsub.f32 v55, v42;
	v43 =	vmul.f32 $1.562500000e-02, v43  }
0x142: {  	v27 =	vsub.f32 v27, v42;
	v48 =	vmul.f32 v40, v40;
	v44 =	vmul.f32 $1.562500000e-02, v44  }
0x143: {  	v41 =	vsub.f32 v41, v47;
	v47 =	vmul.f32 v49, v49;
	v46 =	vmul.f32 $1.562500000e-02, v46  }
0x144: {  	v30 =	vsub.f32 v30, v42;
	v43 =	vsub.f32 v43, v48;
	v48 =	vmul.f32 v45, v45  }
0x145: {  	v41 =	vadd.f32 $9.999999740e-06, v41;
	v44 =	vsub.f32 v44, v47  }
0x146: {  	v43 =	vadd.f32 $9.999999740e-06, v43;
	v46 =	vsub.f32 v46, v48  }
0x147: {  	v47 =	vshra.s32 v41, $0x1;
	v41 =	vmul.f32 $5.000000000e-01, v41;
	v44 =	vadd.f32 $9.999999740e-06, v44  }
0x148: {  	v48 =	vshra.s32 v43, $0x1;
	v43 =	vmul.f32 $5.000000000e-01, v43;
	v46 =	vadd.f32 $9.999999740e-06, v46  }
0x149: {  	v47 =	vsub.s32 $0x5F375A86, v47;
	v51 =	vshra.s32 v44, $0x1;
	v44 =	vmul.f32 $5.000000000e-01, v44  }
0x14a: {  	v48 =	vsub.s32 $0x5F375A86, v48;
	v52 =	vshra.s32 v46, $0x1;
	v46 =	vmul.f32 $5.000000000e-01, v46  }
0x14b: {  	v41 =	vmul.f32 v47, v41;
	v51 =	vsub.s32 $0x5F375A86, v51;
	v52 =	vsub.s32 $0x5F375A86, v52  }
0x14c: {  	v42 =	vsub.f32 v24, v42;
	v24 =	vmul.f32 v48, v43;
	v43 =	vmul.f32 v51, v44  }
0x14d: {  	v53 =	vsub.f32 v25, v40;
	v41 =	vmul.f32 v47, v41;
	v25 =	vmul.f32 v52, v46  }
0x14e: {  	v24 =	vmul.f32 v48, v24;
	v46 =	vsub.f32 v26, v40;
	v26 =	vmul.f32 v51, v43  }
0x14f: {  	v54 =	vsub.f32 v28, v40;
	v41 =	vsub.f32 $1.500000000e+00, v41;
	v25 =	vmul.f32 v52, v25  }
0x150: {  	v24 =	vsub.f32 $1.500000000e+00, v24;
	v26 =	vsub.f32 $1.500000000e+00, v26  }
0x151: {  	v40 =	vsub.f32 v29, v40;
	v41 =	vmul.f32 v47, v41;
	v25 =	vsub.f32 $1.500000000e+00, v25  }
0x152: {  	v47 =	vmul.f32 v48, v24;
	v48 =	vsub.f32 v31, v49;
	v26 =	vmul.f32 v51, v26  }
0x153: {  	v44 =	vsub.f32 v32, v49;
	v32 =	vsub.f32 v34, v49;
	v24 =	vmul.f32 v52, v25  }
0x154: {  	v34 =	vsub.f32 v35, v49;
	v29 =	vsub.f32 v36, v45;
	v43 =	vmul.f32 v41, v50  }
.Ltmp0:
0x155: {  	v31 =	vsub.f32 v37, v45;
	v35 =	vmul.f32 v41, v27;
	v27 =	vsub.f32 v38, v45;
	(pc) =	sbr.rel @p1 .LBB2_3-.Ltmp0, $4  }
0x156: {  	v22 =	vsub.f32 v22, v33;
	v28 =	vsub.f32 v39, v45;
	v36 =	vmul.f32 v41, v30  }
0x157: {  	v37 =	vmul.f32 v41, v42;
	v25 =	vsub.f32 v21, v33;
	v21 =	vsub.f32 v23, v33  }
0x158: {  	v38 =	vadd.f32 v19, v11;
	v33 =	vmul.f32 v47, v53;
	v23 =	vmul.f32 v47, v46  }
0x159: {  	v20 =	vadd.f32 v20, v8;
	s12 =	sadd.s32 $0x140, s12;
	v30 =	vmul.f32 v47, v54;
	v19 =	vmul.f32 v47, v40  }
0x15a: {  	[tilespmem:s2+$0x10] =	vst v38;
	v13 =	vadd.f32 v13, v9  }
0x15b: {  	v12 =	vadd.f32 v12, v10;
	[tilespmem:s2+$0x60] =	vst v20  }
0x15c: {  	[tilespmem:s2+$0x70] =	vst v13;
	v13 =	vadd.f32 v14, v11  }
0x15d: {  	[tilespmem:s2+$0x80] =	vst v12;
	v12 =	vadd.f32 v15, v8  }
0x15e: {  	v14 =	vmul.f32 v43, v4;
	[tilespmem:s2+$0x90] =	vst v13;
	v13 =	vadd.f32 v16, v9  }
0x15f: {  	v15 =	vmul.f32 v35, v5;
	[tilespmem:s2+$0xE0] =	vst v12;
	v12 =	vadd.f32 v18, v10  }
0x160: {  	v16 =	vmul.f32 v36, v6;
	[tilespmem:s2+$0xF0] =	vst v13;
	v13 =	vadd.f32 v14, v8  }
0x161: {  	v14 =	vmul.f32 v37, v7;
	[tilespmem:s2+$0x100] =	vst v12;
	v12 =	vadd.f32 v15, v9  }
0x162: {  	v15 =	vmul.f32 v33, v4;
	[tilespmem:s1+$0xFFFFFEE0] =	vst v13;
	v13 =	vadd.f32 v16, v10  }
0x163: {  	v16 =	vmul.f32 v23, v5;
	[tilespmem:s1+$0xFFFFFEF0] =	vst v12;
	v12 =	vadd.f32 v14, v11  }
0x164: {  	v18 =	vmul.f32 v30, v6;
	v14 =	vmul.f32 v26, v48;
	[tilespmem:s1+$0xFFFFFF00] =	vst v13;
	v13 =	vadd.f32 v15, v8  }
0x165: {  	v19 =	vmul.f32 v19, v7;
	v15 =	vmul.f32 v26, v44;
	[tilespmem:s1+$0xFFFFFF10] =	vst v12;
	v12 =	vadd.f32 v16, v9  }
0x166: {  	v16 =	vmul.f32 v26, v32;
	v14 =	vmul.f32 v14, v4;
	[tilespmem:s1+$0xFFFFFF60] =	vst v13;
	v13 =	vadd.f32 v18, v10  }
0x167: {  	v18 =	vmul.f32 v26, v34;
	v15 =	vmul.f32 v15, v5;
	[tilespmem:s1+$0xFFFFFF70] =	vst v12;
	v12 =	vadd.f32 v19, v11  }
0x168: {  	v19 =	vmul.f32 v24, v29;
	v16 =	vmul.f32 v16, v6;
	[tilespmem:s1+$0xFFFFFF80] =	vst v13;
	v13 =	vadd.f32 v14, v8  }
0x169: {  	v14 =	vmul.f32 v24, v31;
	v18 =	vmul.f32 v18, v7;
	[tilespmem:s1+$0xFFFFFF90] =	vst v12;
	v12 =	vadd.f32 v15, v9  }
0x16a: {  	v15 =	vmul.f32 v24, v27;
	v19 =	vmul.f32 v19, v4;
	[tilespmem:s1+$0xFFFFFFE0] =	vst v13;
	v13 =	vadd.f32 v16, v10  }
0x16b: {  	v16 =	vmul.f32 v24, v28;
	v14 =	vmul.f32 v14, v5;
	[tilespmem:s1+$0xFFFFFFF0] =	vst v12;
	v12 =	vadd.f32 v18, v11  }
0x16c: {  	v18 =	vmul.f32 v17, v22;
	v15 =	vmul.f32 v15, v6;
	[tilespmem:s1+$0x0] =	vst v13;
	v13 =	vadd.f32 v19, v8  }
0x16d: {  	v19 =	vmul.f32 v17, v25;
	v16 =	vmul.f32 v16, v7;
	[tilespmem:s1+$0x10] =	vst v12;
	v12 =	vadd.f32 v14, v9  }
0x16e: {  	v14 =	vmul.f32 v17, v21;
	v17 =	vmul.f32 v18, v4;
	[tilespmem:s1+$0x60] =	vst v13;
	v13 =	vadd.f32 v15, v10  }
0x16f: {  	v15 =	vmul.f32 v19, v5;
	[tilespmem:s1+$0x70] =	vst v12;
	v12 =	vadd.f32 v16, v11  }
0x170: {  	v14 =	vmul.f32 v14, v6;
	[tilespmem:s1+$0x80] =	vst v13;
	v13 =	vadd.f32 v17, v8  }
0x171: {  	[tilespmem:s1+$0x90] =	vst v12;
	v12 =	vadd.f32 v15, v9  }
0x172: {  	s0 =	sadd.s32 s9, s31;
	[tilespmem:s1+$0xE0] =	vst v13;
	v13 =	vadd.f32 v14, v10  }
0x173: {  	s0 =	sshll.u32 s0, $0x4;
	[tilespmem:s1+$0xF0] =	vst v12  }
0x174: {  	s0 =	sadd.s32 s7, s0;
	[tilespmem:s1+$0x100] =	vst v13  }
0x175: {  	[hbm4b:s0+s4] =	stream.linear.scatter [tilespmem:s22], [sflag:$0x3], $0x6400, $0x38;
	[tilespmem:$0x1C280] =	vst v63  }
0x176: {  	s0 =	simm.s32 @!p0 $0x4  }
0x177: {  	p1 =	seq.s32 @!p0 s29, $0x3F;
	_ =	swait.ge @!p0 [sflag:s0], $0x6400  }
0x178: {  	p1 =	por p0, !p1;
	[sflag:s0] =	ssyncset.done @!p0 $0x0  }
0x179: {  	[sflag:s0] =	ssyncadd.s32 @!p0 $0xFFFF9C00;
	s0 =	sadd.s32 @p1 $0x190, s31  }
0x17a: {  	[tilespmem:s16], [sflag:$0x1] =	stream.indirect.gather @p1 [hbm4b:s5+s15], $0x40, s0, s15, $0xb8;
	[tilespmem:$0x1C280] =	vst v63  }
0x17b: {  	s0 =	sadd.s32 @p1 $0x210, s31  }
0x17c: {  	[tilespmem:s18], [sflag:$0x1] =	stream.indirect.gather @p1 [hbm4b:s5+s17], $0x40, s0, s17, $0xb8;
	[tilespmem:$0x1C280] =	vst v63  }
0x17d: {  	_ =	swait.ge [sflag:s23], $0x2000  }
0x17e: {  	[sflag:s23] =	ssyncset.done $0x0  }
0x17f: {  	[sflag:s23] =	ssyncadd.s32 $0xFFFFE000  }
0x180: {  	_ =	swait.ge [sflag:s23], $0x1200  }
0x181: {  	[sflag:s23] =	ssyncset.done $0x0  }
0x182: {  	s2 =	simm.s32 $0x96A0;
	[sflag:s23] =	ssyncadd.s32 $0xFFFFEE00  }
0x183: {  	s3 =	simm.s32 $0x190A0;
	v12 =	vld [tilespmem:s2+$0x60]  }
0x184: {  	v13 =	vld [tilespmem:s3+$0x60]  }
0x185: {  	v15 =	vld [tilespmem:s2+$0x70]  }
0x186: {  	v16 =	vld [tilespmem:s3+$0x70]  }
0x187: {  	v17 =	vld [tilespmem:s2+$0x80]  }
0x188: {  	v18 =	vld [tilespmem:s3+$0x80]  }
0x189: {  	v19 =	vld [tilespmem:s2+$0x90]  }
0x18a: {  	v20 =	vld [tilespmem:s3+$0x90]  }
0x18b: {  	v21 =	vld [tilespmem:s2+$0xFFFFFF70]  }
0x18c: {  	v22 =	vld [tilespmem:s3+$0xFFFFFF70]  }
0x18d: {  	v23 =	vld [tilespmem:s2+$0xFFFFFF80]  }
0x18e: {  	v27 =	vld [tilespmem:s2+$0xFFFFFFA0];
	v14 =	vadd.f32 v13, v12;
	v13 =	vadd.f32 v16, v15  }
0x18f: {  	v30 =	vld [tilespmem:s3+$0xFFFFFFA0];
	v12 =	vadd.f32 v18, v17;
	v18 =	vadd.f32 v20, v19  }
0x190: {  	v15 =	vld [tilespmem:s3+$0xFFFFFF80];
	v17 =	vadd.f32 v13, v14  }
0x191: {  	v16 =	vld [tilespmem:s2+$0xFFFFFF90];
	v20 =	vadd.f32 v18, v12;
	v24 =	vmul.f32 v14, v14;
	v25 =	vmul.f32 v13, v13  }
0x192: {  	v19 =	vld [tilespmem:s3+$0xFFFFFF90];
	v28 =	vmul.f32 v12, v12;
	v29 =	vmul.f32 v18, v18  }
0x193: {  	v31 =	vld [tilespmem:s2+$0xFFFFFFC0];
	v17 =	vadd.f32 v20, v17  }
0x194: {  	v20 =	vld [tilespmem:s2+$0xFFFFFFB0];
	v24 =	vadd.f32 v25, v24;
	v25 =	vadd.f32 v29, v28  }
0x195: {  	v28 =	vld [tilespmem:s3+$0xFFFFFFB0]  }
0x196: {  	v24 =	vadd.f32 v25, v24;
	v29 =	vperm.xlane v17, v0;
	v25 =	vadd.f32 v15, v23;
	v15 =	vld [tilespmem:s3+$0xFFFFFFC0]  }
0x197: {  	v16 =	vadd.f32 v19, v16;
	v23 =	vld [tilespmem:s2+$0xFFFFFFD0]  }
0x198: {  	v51 =	vadd.f32 v17, v29;
	v19 =	vperm.xlane v24, v0;
	v29 =	vadd.f32 v22, v21;
	v22 =	vld [tilespmem:s3+$0xFFFFFFD0]  }
0x199: {  	v21 =	vmul.f32 v25, v25;
	v17 =	vadd.f32 v30, v27;
	v27 =	vmul.f32 v16, v16;
	v30 =	vld [tilespmem:s2+$0xFFFFFFE0]  }
0x19a: {  	v52 =	vperm.xlane v51, v1;
	v24 =	vadd.f32 v19, v24;
	v19 =	vadd.f32 v28, v20;
	v28 =	vld [tilespmem:s3+$0xFFFFFFE0]  }
0x19b: {  	v35 =	vadd.f32 v27, v21;
	v27 =	vld [tilespmem:s2+$0xFFFFFFF0];
	v53 =	vmul.f32 v17, v17  }
0x19c: {  	v20 =	vadd.f32 v15, v31;
	v31 =	vld [tilespmem:s3+$0xFFFFFFF0];
	v32 =	vadd.f32 v51, v52;
	v21 =	vperm.xlane v24, v1  }
0x19d: {  	v55 =	vld [tilespmem:s2+$0x0];
	v34 =	vadd.f32 v16, v25;
	v39 =	vmul.f32 v29, v29;
	v15 =	vmul.f32 v19, v19  }
0x19e: {  	v57 =	vld [tilespmem:s3+$0x0];
	v56 =	vperm.xlane v32, v2;
	v24 =	vadd.f32 v21, v24;
	v21 =	vadd.f32 v22, v23  }
0x19f: {  	v41 =	vld [tilespmem:s2+$0x10];
	v54 =	vadd.f32 v19, v17;
	v40 =	vmul.f32 v20, v20;
	v22 =	vadd.f32 v28, v30  }
0x1a0: {  	v42 =	vld [tilespmem:s3+$0x10];
	v32 =	vadd.f32 v32, v56;
	v58 =	vperm.xlane v24, v2;
	v28 =	vadd.f32 v21, v20  }
0x1a1: {  	v59 =	vld [tilespmem:s3+$0x20];
	v15 =	vadd.f32 v15, v53;
	v30 =	vmul.f32 v21, v21;
	v23 =	vadd.f32 v31, v27  }
0x1a2: {  	v31 =	vld [tilespmem:s2+$0x20];
	v27 =	vperm.xlane v32, v3;
	v38 =	vadd.f32 v58, v24;
	v36 =	vadd.f32 v28, v54  }
0x1a3: {  	v60 =	vld [tilespmem:s2+$0x30];
	v28 =	vadd.f32 v30, v40;
	v30 =	vmul.f32 v22, v22;
	v24 =	vadd.f32 v57, v55  }
0x1a4: {  	v45 =	vld [tilespmem:s3+$0x30];
	v62 =	vadd.f32 v23, v22;
	v32 =	vadd.f32 v32, v27;
	v61 =	vperm.xlane v38, v3  }
0x1a5: {  	v26 =	vld [tilespmem:s3+$0xFFFFFF60];
	v43 =	vadd.f32 v28, v15;
	v28 =	vmul.f32 v23, v23;
	v27 =	vadd.f32 v42, v41  }
0x1a6: {  	v49 =	vld [tilespmem:s2+$0xFFFFFF60];
	v52 =	vperm.xlane v36, v0;
	v54 =	vmul.f32 v24, v24;
	v51 =	vadd.f32 v61, v38  }
0x1a7: {  	v63 =	vld [tilespmem:s2+$0x40];
	v15 =	vmul.f32 $1.562500000e-02, v32;
	v53 =	vadd.f32 v28, v30;
	v28 =	vadd.f32 v59, v31  }
0x1a8: {  	v46 =	vld [tilespmem:s3+$0x40];
	v36 =	vadd.f32 v36, v52;
	v57 =	vadd.f32 v27, v24;
	v47 =	vmul.f32 v27, v27  }
0x1a9: {  	v30 =	vadd.f32 v45, v60;
	v45 =	vperm.xlane v43, v0;
	v31 =	vmul.f32 $1.562500000e-02, v51  }
0x1aa: {  	v55 =	vld [tilespmem:s2+$0x50];
	v56 =	vmul.f32 v15, v15;
	v37 =	vadd.f32 v57, v62;
	v42 =	vadd.f32 v47, v54  }
0x1ab: {  	v58 =	vld [tilespmem:s3+$0x50];
	v59 =	vmul.f32 v28, v28;
	v47 =	vadd.f32 v26, v49;
	v18 =	vsub.f32 v18, v15  }
0x1ac: {  	v60 =	vmul.f32 v30, v30;
	v43 =	vadd.f32 v45, v43;
	v32 =	vsub.f32 v31, v56  }
0x1ad: {  	v31 =	vadd.f32 v46, v63;
	v38 =	vadd.f32 v42, v53;
	v62 =	vperm.xlane v37, v0  }
0x1ae: {  	v63 =	vadd.f32 v30, v28;
	v50 =	vadd.f32 v29, v47;
	v51 =	vmul.f32 v47, v47  }
0x1af: {  	v33 =	vadd.f32 v60, v59;
	v60 =	vperm.xlane v36, v1;
	v49 =	vperm.xlane v43, v1  }
0x1b0: {  	v61 =	vadd.f32 $9.999999740e-06, v32;
	v32 =	vadd.f32 v58, v55;
	v26 =	vmul.f32 v31, v31  }
0x1b1: {  	v34 =	vadd.f32 v34, v50;
	v39 =	vadd.f32 v39, v51;
	v56 =	vperm.xlane v38, v0  }
0x1b2: {  	v37 =	vadd.f32 v37, v62;
	v36 =	vadd.f32 v36, v60;
	v53 =	vshra.s32 v61, $0x1  }
0x1b3: {  	v44 =	vmul.f32 $5.000000000e-01, v61;
	v48 =	vadd.f32 v32, v31;
	v54 =	vmul.f32 v32, v32  }
0x1b4: {  	v35 =	vadd.f32 v35, v39;
	v57 =	vperm.xlane v34, v0;
	v62 =	vperm.xlane v37, v1  }
0x1b5: {  	v38 =	vadd.f32 v56, v38;
	v40 =	vsub.s32 $0x5F375A86, v53;
	v53 =	vperm.xlane v36, v2  }
0x1b6: {  	v44 =	vmul.f32 v40, v44;
	v55 =	vadd.f32 v48, v63;
	v26 =	vadd.f32 v54, v26  }
0x1b7: {  	v34 =	vadd.f32 v34, v57;
	v58 =	vperm.xlane v35, v0;
	v37 =	vadd.f32 v37, v62  }
0x1b8: {  	v50 =	vperm.xlane v38, v1;
	v36 =	vadd.f32 v36, v53;
	v44 =	vmul.f32 v40, v44  }
0x1b9: {  	v33 =	vadd.f32 v26, v33;
	v26 =	vperm.xlane v55, v0;
	v61 =	vperm.xlane v34, v1  }
0x1ba: {  	v35 =	vadd.f32 v58, v35;
	v54 =	vperm.xlane v37, v2;
	v38 =	vadd.f32 v50, v38  }
0x1bb: {  	v44 =	vsub.f32 $1.500000000e+00, v44;
	v41 =	vadd.f32 v55, v26;
	v59 =	vperm.xlane v33, v0  }
0x1bc: {  	v34 =	vadd.f32 v34, v61;
	v48 =	vperm.xlane v35, v1;
	v58 =	vperm.xlane v38, v2  }
0x1bd: {  	v37 =	vadd.f32 v37, v54;
	v61 =	vperm.xlane v36, v3;
	v26 =	vmul.f32 v40, v44  }
0x1be: {  	v63 =	vperm.xlane v41, v1;
	v33 =	vadd.f32 v59, v33;
	v51 =	vperm.xlane v34, v2  }
0x1bf: {  	v35 =	vadd.f32 v48, v35;
	v40 =	vadd.f32 v49, v43;
	v62 =	vperm.xlane v37, v3  }
0x1c0: {  	v38 =	vadd.f32 v58, v38;
	v36 =	vadd.f32 v36, v61;
	v18 =	vmul.f32 v26, v18  }
0x1c1: {  	v41 =	vadd.f32 v41, v63;
	v52 =	vperm.xlane v33, v1;
	v56 =	vperm.xlane v35, v2  }
0x1c2: {  	v34 =	vadd.f32 v34, v51;
	v57 =	vperm.xlane v40, v2;
	v50 =	vperm.xlane v38, v3  }
0x1c3: {  	v37 =	vadd.f32 v37, v62;
	v36 =	vmul.f32 $1.562500000e-02, v36;
	v18 =	vmul.f32 v18, v7  }
0x1c4: {  	v55 =	vperm.xlane v41, v2;
	v33 =	vadd.f32 v52, v33;
	v35 =	vadd.f32 v56, v35  }
0x1c5: {  	v59 =	vperm.xlane v34, v3;
	v40 =	vadd.f32 v57, v40;
	v38 =	vadd.f32 v50, v38  }
0x1c6: {  	v37 =	vmul.f32 $1.562500000e-02, v37;
	v17 =	vsub.f32 v17, v36;
	v19 =	vsub.f32 v19, v36  }
0x1c7: {  	v54 =	vmul.f32 v36, v36;
	v21 =	vsub.f32 v21, v36;
	v18 =	vadd.f32 v18, v11  }
0x1c8: {  	v39 =	vadd.f32 v41, v55;
	v60 =	vperm.xlane v33, v2;
	v34 =	vadd.f32 v34, v59  }
0x1c9: {  	v48 =	vperm.xlane v35, v3;
	v49 =	vperm.xlane v40, v3;
	v22 =	vsub.f32 v22, v37  }
0x1ca: {  	v38 =	vmul.f32 $1.562500000e-02, v38;
	v23 =	vsub.f32 v23, v37;
	v24 =	vsub.f32 v24, v37  }
0x1cb: {  	v55 =	vmul.f32 v37, v37;
	v27 =	vsub.f32 v27, v37;
	v33 =	vadd.f32 v60, v33  }
0x1cc: {  	v63 =	vperm.xlane v39, v3;
	v35 =	vadd.f32 v48, v35;
	v40 =	vadd.f32 v49, v40  }
0x1cd: {  	v34 =	vmul.f32 $1.562500000e-02, v34;
	v38 =	vsub.f32 v38, v55;
	v51 =	vperm.xlane v33, v3  }
0x1ce: {  	v39 =	vadd.f32 v39, v63;
	v35 =	vmul.f32 $1.562500000e-02, v35;
	v40 =	vmul.f32 $1.562500000e-02, v40  }
0x1cf: {  	v52 =	vmul.f32 v34, v34;
	v53 =	vsub.f32 v47, v34;
	v38 =	vadd.f32 $9.999999740e-06, v38  }
0x1d0: {  	v29 =	vsub.f32 v29, v34;
	v39 =	vmul.f32 $1.562500000e-02, v39;
	v40 =	vsub.f32 v40, v54  }
0x1d1: {  	v33 =	vadd.f32 v51, v33;
	v35 =	vsub.f32 v35, v52;
	v59 =	vshra.s32 v38, $0x1  }
0x1d2: {  	v38 =	vmul.f32 $5.000000000e-01, v38;
	v44 =	vsub.s32 $0x5F375A86, v59;
	v40 =	vadd.f32 $9.999999740e-06, v40  }
0x1d3: {  	v33 =	vmul.f32 $1.562500000e-02, v33;
	v56 =	vmul.f32 v39, v39;
	v35 =	vadd.f32 $9.999999740e-06, v35  }
0x1d4: {  	s12 =	simm.s32 $0x97E0;
	[tilespmem:$0x1FF80] =	vst v18;
	v38 =	vmul.f32 v44, v38;
	v58 =	vshra.s32 v40, $0x1;
	v40 =	vmul.f32 $5.000000000e-01, v40  }
0x1d5: {  	s0 =	simm.s32 $0x191E0;
	v48 =	vld [tilespmem:s12+$0x70];
	v57 =	vshra.s32 v35, $0x1;
	v35 =	vmul.f32 $5.000000000e-01, v35;
	v43 =	vsub.s32 $0x5F375A86, v58  }
0x1d6: {  	v62 =	vld [tilespmem:s0+$0x70];
	v33 =	vsub.f32 v33, v56;
	v41 =	vsub.s32 $0x5F375A86, v57;
	v61 =	vmul.f32 v43, v40  }
0x1d7: {  	v25 =	vsub.f32 v25, v34;
	v47 =	vld [tilespmem:s0+$0x60];
	v38 =	vmul.f32 v44, v38;
	v35 =	vmul.f32 v41, v35  }
0x1d8: {  	v16 =	vsub.f32 v16, v34;
	v63 =	vld [tilespmem:s12+$0x80];
	v33 =	vadd.f32 $9.999999740e-06, v33;
	v34 =	vmul.f32 v43, v61  }
0x1d9: {  	v28 =	vsub.f32 v28, v39;
	v40 =	vld [tilespmem:s12+$0x60];
	v38 =	vsub.f32 $1.500000000e+00, v38;
	v35 =	vmul.f32 v41, v35  }
0x1da: {  	v52 =	vld [tilespmem:s12+$0xFFFFFF70];
	v60 =	vshra.s32 v33, $0x1;
	v33 =	vmul.f32 $5.000000000e-01, v33;
	v34 =	vsub.f32 $1.500000000e+00, v34  }
0x1db: {  	v54 =	vld [tilespmem:s0+$0xFFFFFF70];
	v38 =	vmul.f32 v44, v38;
	v45 =	vsub.s32 $0x5F375A86, v60;
	v35 =	vsub.f32 $1.500000000e+00, v35  }
0x1dc: {  	v59 =	vld [tilespmem:s12+$0x90];
	v60 =	vsub.f32 v14, v15;
	v33 =	vmul.f32 v45, v33;
	v34 =	vmul.f32 v43, v34  }
0x1dd: {  	v57 =	vld [tilespmem:s0+$0x80];
	v14 =	vadd.f32 v62, v48;
	v44 =	vmul.f32 v38, v22;
	v35 =	vmul.f32 v41, v35  }
0x1de: {  	v61 =	vld [tilespmem:s12+$0xFFFFFF80];
	v33 =	vmul.f32 v45, v33;
	v51 =	vmul.f32 v34, v17;
	v17 =	vadd.f32 v47, v40  }
0x1df: {  	v62 =	vsub.f32 v13, v15;
	v18 =	vmul.f32 v38, v24;
	v50 =	vmul.f32 v35, v25;
	v25 =	vld [tilespmem:s0+$0x90];
	[tilespmem:$0x1FFA0] =	vst v14  }
0x1e0: {  	v13 =	vmul.f32 v26, v60;
	v41 =	vmul.f32 v38, v23;
	v33 =	vsub.f32 $1.500000000e+00, v33;
	[tilespmem:$0x1FF90] =	vst v17  }
0x1e1: {  	v30 =	vsub.f32 v30, v39;
	v58 =	vmul.f32 v35, v53;
	v29 =	vmul.f32 v35, v29;
	v23 =	vld [tilespmem:s0+$0xFFFFFF80]  }
0x1e2: {  	v31 =	vsub.f32 v31, v39;
	v35 =	vmul.f32 v35, v16;
	v33 =	vmul.f32 v45, v33;
	v24 =	vld [tilespmem:s12+$0xFFFFFF90]  }
0x1e3: {  	v16 =	vsub.f32 v32, v39;
	v39 =	vmul.f32 v34, v19;
	v46 =	vmul.f32 v34, v21;
	v40 =	vld [tilespmem:s12+$0xFFFFFFA0]  }
0x1e4: {  	v21 =	vadd.f32 v57, v63;
	v22 =	vadd.f32 v14, v17;
	v55 =	vld [tilespmem:s0+$0xFFFFFFA0];
	v19 =	vmul.f32 v33, v28  }
0x1e5: {  	v28 =	vmul.f32 v17, v17;
	v17 =	vmul.f32 v33, v30;
	v30 =	vld [tilespmem:s12+$0xFFFFFFB0];
	v37 =	vadd.f32 v25, v59  }
0x1e6: {  	v20 =	vsub.f32 v20, v36;
	v42 =	vmul.f32 v38, v27;
	v45 =	vmul.f32 v33, v31;
	v31 =	vld [tilespmem:s0+$0xFFFFFFB0]  }
0x1e7: {  	v36 =	vmul.f32 v14, v14;
	v25 =	vld [tilespmem:s0+$0xFFFFFF90];
	[tilespmem:$0x1FF60] =	vst v13;
	v13 =	vmul.f32 v26, v62;
	v27 =	vadd.f32 v37, v21  }
0x1e8: {  	v43 =	vmul.f32 v21, v21;
	v63 =	vmul.f32 v37, v37  }
0x1e9: {  	[tilespmem:$0x1FF70] =	vst v13;
	v27 =	vadd.f32 v27, v22  }
0x1ea: {  	v47 =	vmul.f32 v33, v16;
	v33 =	vld [tilespmem:s12+$0xFFFFFFC0];
	v22 =	vadd.f32 v36, v28;
	v28 =	vadd.f32 v63, v43  }
0x1eb: {  	v12 =	vsub.f32 v12, v15;
	v38 =	vadd.f32 v54, v52;
	v14 =	vmul.f32 v29, v5;
	v57 =	vld [tilespmem:s0+$0xFFFFFFC0]  }
0x1ec: {  	v32 =	vadd.f32 v23, v61;
	v29 =	vld [tilespmem:s12+$0xFFFFFFD0];
	v28 =	vadd.f32 v28, v22;
	v56 =	vperm.xlane v27, v0  }
0x1ed: {  	v53 =	vmul.f32 v34, v20;
	v49 =	vmul.f32 v58, v4;
	v34 =	vld [tilespmem:s0+$0xFFFFFFD0];
	v25 =	vadd.f32 v25, v24  }
0x1ee: {  	v48 =	vld [tilespmem:s12+$0xFFFFFFE0];
	v58 =	vmul.f32 v32, v32;
	v27 =	vadd.f32 v27, v56;
	v24 =	vperm.xlane v28, v0  }
0x1ef: {  	v61 =	vld [tilespmem:s0+$0xFFFFFFE0];
	v22 =	vmul.f32 v26, v12;
	v26 =	vadd.f32 v55, v40;
	v59 =	vmul.f32 v25, v25  }
0x1f0: {  	v23 =	vadd.f32 v49, v8;
	v43 =	vld [tilespmem:s12+$0x0];
	v60 =	vperm.xlane v27, v1;
	v28 =	vadd.f32 v24, v28  }
0x1f1: {  	v40 =	vld [tilespmem:s0+$0xFFFFFFF0];
	v63 =	vmul.f32 v26, v26;
	v55 =	vadd.f32 v59, v58;
	v24 =	vadd.f32 v31, v30  }
0x1f2: {  	v58 =	vmul.f32 v35, v7;
	v30 =	vld [tilespmem:s12+$0xFFFFFFF0];
	v31 =	vadd.f32 v27, v60;
	v62 =	vperm.xlane v28, v1  }
0x1f3: {  	v35 =	vld [tilespmem:s12+$0x10];
	v27 =	vadd.f32 v57, v33;
	v60 =	vmul.f32 v24, v24;
	v52 =	vadd.f32 v24, v26  }
0x1f4: {  	v57 =	vld [tilespmem:s0+$0x0];
	v56 =	vperm.xlane v31, v2;
	v36 =	vadd.f32 v62, v28;
	v28 =	vadd.f32 v34, v29  }
0x1f5: {  	v18 =	vmul.f32 v18, v6;
	v59 =	vld [tilespmem:s0+$0x10];
	v34 =	vadd.f32 v60, v63;
	v29 =	vadd.f32 v61, v48  }
0x1f6: {  	v60 =	vld [tilespmem:s12+$0x20];
	v49 =	vadd.f32 v31, v56;
	v56 =	vperm.xlane v36, v2;
	v48 =	vadd.f32 v28, v27  }
0x1f7: {  	v33 =	vmul.f32 v27, v27;
	v54 =	vmul.f32 v28, v28;
	v31 =	vadd.f32 v40, v30;
	v40 =	vld [tilespmem:s0+$0x20]  }
0x1f8: {  	v61 =	vld [tilespmem:s0+$0x30];
	v30 =	vperm.xlane v49, v3;
	v36 =	vadd.f32 v56, v36;
	v48 =	vadd.f32 v48, v52  }
0x1f9: {  	v52 =	vadd.f32 v54, v33;
	v54 =	vld [tilespmem:s12+$0x30];
	v56 =	vmul.f32 v29, v29;
	v33 =	vadd.f32 v57, v43  }
0x1fa: {  	v43 =	vmul.f32 v31, v31;
	v30 =	vadd.f32 v49, v30;
	v49 =	vperm.xlane v36, v3  }
0x1fb: {  	v63 =	vld [tilespmem:s12+$0x50];
	v52 =	vadd.f32 v52, v34;
	v34 =	vadd.f32 v59, v35;
	v59 =	vperm.xlane v48, v0  }
0x1fc: {  	v57 =	vld [tilespmem:s12+$0x40];
	v62 =	vadd.f32 v31, v29;
	v12 =	vmul.f32 v33, v33;
	v35 =	vadd.f32 v40, v60  }
0x1fd: {  	v60 =	vld [tilespmem:s0+$0x50];
	v30 =	vmul.f32 $1.562500000e-02, v30;
	v36 =	vadd.f32 v49, v36;
	v59 =	vadd.f32 v48, v59  }
0x1fe: {  	v49 =	vld [tilespmem:s0+$0x40];
	v48 =	vadd.f32 v34, v33;
	v54 =	vadd.f32 v61, v54;
	v61 =	vmul.f32 v34, v34  }
0x1ff: {  	v13 =	vld [tilespmem:s12+$0xFFFFFF60];
	v56 =	vadd.f32 v43, v56;
	v40 =	vmul.f32 $1.562500000e-02, v36;
	v43 =	vmul.f32 v30, v30  }
0x200: {  	v41 =	vmul.f32 v41, v5;
	v20 =	vadd.f32 v58, v11;
	v36 =	vld [tilespmem:s0+$0xFFFFFF60];
	v62 =	vadd.f32 v48, v62  }
0x201: {  	v15 =	vmul.f32 v39, v5;
	v12 =	vadd.f32 v61, v12;
	v40 =	vsub.f32 v40, v43  }
0x202: {  	v16 =	vmul.f32 v53, v6;
	v43 =	vadd.f32 v14, v9;
	v14 =	vadd.f32 v25, v32  }
0x203: {  	v61 =	vmul.f32 v35, v35;
	v39 =	vadd.f32 v60, v63;
	v53 =	vadd.f32 v49, v57  }
0x204: {  	v63 =	vmul.f32 v54, v54;
	v56 =	vadd.f32 v12, v56;
	v12 =	vadd.f32 v54, v35  }
0x205: {  	v57 =	vmul.f32 v46, v7;
	v36 =	vadd.f32 v36, v13;
	v13 =	vadd.f32 v39, v53  }
0x206: {  	v60 =	vadd.f32 v63, v61;
	v48 =	vmul.f32 v39, v39;
	v46 =	vmul.f32 v53, v53  }
0x207: {  	v50 =	vmul.f32 v50, v6;
	v63 =	vadd.f32 v13, v12;
	v12 =	vadd.f32 v38, v36  }
0x208: {  	v51 =	vmul.f32 v51, v4;
	v40 =	vadd.f32 $9.999999740e-06, v40;
	v46 =	vadd.f32 v48, v46  }
0x209: {  	v13 =	vmul.f32 v38, v38;
	v48 =	vadd.f32 v14, v12;
	v12 =	vmul.f32 v36, v36  }
0x20a: {  	v37 =	vsub.f32 v37, v30;
	v21 =	vsub.f32 v21, v30;
	v61 =	vmul.f32 v44, v4  }
0x20b: {  	v44 =	vadd.f32 v50, v10;
	v14 =	vmul.f32 $5.000000000e-01, v40;
	v50 =	vadd.f32 v13, v12  }
0x20c: {  	v12 =	vshra.s32 v40, $0x1;
	v40 =	vmul.f32 v19, v4;
	v13 =	vmul.f32 v17, v5  }
0x20d: {  	v17 =	vsub.s32 $0x5F375A86, v12;
	v12 =	vmul.f32 v45, v6;
	v45 =	vadd.f32 v15, v9  }
0x20e: {  	v15 =	vadd.f32 v46, v60;
	v60 =	vperm.xlane v48, v0;
	v58 =	vmul.f32 v17, v14  }
0x20f: {  	v49 =	vadd.f32 v51, v8;
	v14 =	vmul.f32 v47, v7;
	v47 =	vperm.xlane v62, v0  }
0x210: {  	v46 =	vadd.f32 v16, v10;
	v48 =	vadd.f32 v48, v60;
	v60 =	vperm.xlane v52, v0  }
0x211: {  	v16 =	vadd.f32 v55, v50;
	v51 =	vmul.f32 v17, v58;
	v55 =	vadd.f32 v62, v47  }
0x212: {  	v62 =	vperm.xlane v63, v0;
	v52 =	vadd.f32 v60, v52;
	v60 =	vperm.xlane v48, v1  }
0x213: {  	v47 =	vadd.f32 v57, v11;
	v58 =	vperm.xlane v56, v0;
	v51 =	vsub.f32 $1.500000000e+00, v51  }
0x214: {  	v57 =	vadd.f32 v63, v62;
	v48 =	vadd.f32 v48, v60;
	v60 =	vperm.xlane v55, v1  }
0x215: {  	v50 =	vadd.f32 v61, v8;
	v17 =	vmul.f32 v17, v51;
	v51 =	vperm.xlane v16, v0  }
0x216: {  	v56 =	vadd.f32 v58, v56;
	v58 =	vperm.xlane v59, v1;
	v61 =	vperm.xlane v57, v1  }
0x217: {  	v55 =	vadd.f32 v55, v60;
	v16 =	vadd.f32 v51, v16;
	v51 =	vperm.xlane v15, v0  }
0x218: {  	v60 =	vperm.xlane v56, v1;
	v62 =	vperm.xlane v48, v2;
	v57 =	vadd.f32 v57, v61  }
0x219: {  	v61 =	vadd.f32 v18, v10;
	v37 =	vmul.f32 v17, v37;
	v15 =	vadd.f32 v51, v15  }
0x21a: {  	v51 =	vadd.f32 v41, v9;
	v41 =	vadd.f32 v59, v58;
	v58 =	vperm.xlane v16, v1  }
0x21b: {  	v56 =	vadd.f32 v60, v56;
	v60 =	vperm.xlane v55, v2;
	v59 =	vperm.xlane v52, v1  }
0x21c: {  	v48 =	vadd.f32 v48, v62;
	v16 =	vadd.f32 v58, v16;
	v63 =	vperm.xlane v41, v2  }
0x21d: {  	v62 =	vperm.xlane v57, v2;
	v58 =	vperm.xlane v15, v1;
	v18 =	vadd.f32 v59, v52  }
0x21e: {  	v55 =	vadd.f32 v55, v60;
	v41 =	vadd.f32 v41, v63;
	v63 =	vperm.xlane v16, v2  }
0x21f: {  	v52 =	vadd.f32 v57, v62;
	v15 =	vadd.f32 v58, v15;
	v60 =	vperm.xlane v18, v2  }
0x220: {  	v62 =	vperm.xlane v56, v2;
	v16 =	vadd.f32 v63, v16;
	v63 =	vperm.xlane v48, v3  }
0x221: {  	v37 =	vmul.f32 v37, v7;
	v18 =	vadd.f32 v60, v18;
	v60 =	vperm.xlane v15, v2  }
0x222: {  	v56 =	vadd.f32 v62, v56;
	v62 =	vperm.xlane v41, v3;
	v48 =	vadd.f32 v48, v63  }
0x223: {  	v63 =	vperm.xlane v55, v3;
	v15 =	vadd.f32 v60, v15;
	v60 =	vperm.xlane v52, v3  }
0x224: {  	v58 =	vperm.xlane v56, v3;
	v41 =	vadd.f32 v41, v62;
	v62 =	vperm.xlane v16, v3  }
0x225: {  	v59 =	vperm.xlane v18, v3;
	v55 =	vadd.f32 v55, v63;
	v52 =	vadd.f32 v52, v60  }
0x226: {  	v16 =	vadd.f32 v62, v16;
	v57 =	vperm.xlane v15, v3;
	v60 =	vadd.f32 v37, v11  }
0x227: {  	v37 =	vmul.f32 $1.562500000e-02, v48;
	v41 =	vmul.f32 $1.562500000e-02, v41;
	v18 =	vadd.f32 v59, v18  }
0x228: {  	v48 =	vadd.f32 v58, v56;
	v55 =	vmul.f32 $1.562500000e-02, v55;
	v16 =	vmul.f32 $1.562500000e-02, v16  }
0x229: {  	v52 =	vmul.f32 $1.562500000e-02, v52;
	v15 =	vadd.f32 v57, v15;
	v63 =	vmul.f32 v37, v37  }
0x22a: {  	v36 =	vsub.f32 v36, v37;
	v18 =	vmul.f32 $1.562500000e-02, v18;
	v62 =	vmul.f32 v41, v41  }
0x22b: {  	v38 =	vsub.f32 v38, v37;
	v48 =	vmul.f32 $1.562500000e-02, v48;
	v16 =	vsub.f32 v16, v63  }
0x22c: {  	v59 =	vsub.f32 v32, v37;
	v56 =	vmul.f32 v55, v55;
	v18 =	vsub.f32 v18, v62  }
0x22d: {  	v19 =	vld [tilespmem:$0x1FF80];
	v58 =	vmul.f32 $1.562500000e-02, v15;
	v63 =	vmul.f32 v52, v52;
	v62 =	vadd.f32 $9.999999740e-06, v16  }
0x22e: {  	v48 =	vsub.f32 v48, v56;
	v18 =	vadd.f32 $9.999999740e-06, v18  }
0x22f: {  	v25 =	vsub.f32 v25, v37;
	v32 =	vsub.f32 v58, v63;
	v63 =	vshra.s32 v62, $0x1  }
0x230: {  	v57 =	vmul.f32 $5.000000000e-01, v62;
	v48 =	vadd.f32 $9.999999740e-06, v48;
	v58 =	vshra.s32 v18, $0x1  }
0x231: {  	s1 =	simm.s32 $0x12D20;
	v15 =	vld [tilespmem:$0x1FF60];
	v18 =	vmul.f32 $5.000000000e-01, v18;
	v32 =	vadd.f32 $9.999999740e-06, v32;
	v56 =	vsub.s32 $0x5F375A86, v63  }
0x232: {  	v16 =	vld [tilespmem:$0x1FF70];
	[tilespmem:s1+$0x110] =	vst v19;
	v58 =	vsub.s32 $0x5F375A86, v58;
	v62 =	vshra.s32 v48, $0x1;
	v48 =	vmul.f32 $5.000000000e-01, v48  }
0x233: {  	[tilespmem:s1+$0xFFFFFEE0] =	vst v23;
	v37 =	vshra.s32 v32, $0x1;
	v32 =	vmul.f32 $5.000000000e-01, v32;
	v57 =	vmul.f32 v56, v57  }
0x234: {  	[tilespmem:s1+$0xFFFFFEF0] =	vst v43;
	v18 =	vmul.f32 v58, v18;
	v62 =	vsub.s32 $0x5F375A86, v62;
	v37 =	vsub.s32 $0x5F375A86, v37  }
0x235: {  	[tilespmem:s1+$0xFFFFFF00] =	vst v44;
	v63 =	vsub.f32 v26, v41;
	v48 =	vmul.f32 v62, v48;
	v26 =	vmul.f32 v37, v32  }
0x236: {  	v34 =	vsub.f32 v34, v55;
	[tilespmem:s1+$0xFFFFFF10] =	vst v20;
	v57 =	vmul.f32 v56, v57;
	v23 =	vmul.f32 v58, v18  }
0x237: {  	v19 =	vsub.f32 v24, v41;
	[tilespmem:s1+$0xFFFFFF60] =	vst v49;
	v24 =	vmul.f32 v62, v48;
	v26 =	vmul.f32 v37, v26  }
0x238: {  	[tilespmem:s1+$0xFFFFFF70] =	vst v45;
	v18 =	vmul.f32 v22, v6;
	v48 =	vsub.f32 $1.500000000e+00, v57;
	v22 =	vsub.f32 $1.500000000e+00, v23  }
0x239: {  	v42 =	vmul.f32 v42, v7;
	[tilespmem:s1+$0xFFFFFF80] =	vst v46;
	v23 =	vsub.f32 $1.500000000e+00, v24;
	v24 =	vsub.f32 $1.500000000e+00, v26  }
0x23a: {  	v44 =	vsub.f32 v31, v55;
	[tilespmem:s1+$0xFFFFFF90] =	vst v47;
	v15 =	vmul.f32 v15, v4;
	v20 =	vmul.f32 v56, v48  }
0x23b: {  	[tilespmem:s1+$0xFFFFFFE0] =	vst v50;
	v58 =	vmul.f32 v58, v22;
	v48 =	vsub.f32 v29, v55;
	v24 =	vmul.f32 v37, v24  }
0x23c: {  	v29 =	vsub.f32 v35, v52;
	v22 =	vld [tilespmem:$0x1FF90];
	[tilespmem:s1+$0xFFFFFFF0] =	vst v51;
	v43 =	vmul.f32 v20, v36;
	v35 =	vmul.f32 v20, v38  }
0x23d: {  	v31 =	vsub.f32 v54, v52;
	v36 =	vmul.f32 v20, v59;
	v37 =	vmul.f32 v20, v25;
	v20 =	vld [tilespmem:$0x1FFA0]  }
0x23e: {  	v16 =	vmul.f32 v16, v5;
	v32 =	vsub.f32 v33, v55;
	v57 =	vsub.f32 v27, v41  }
0x23f: {  	v41 =	vsub.f32 v28, v41;
	v27 =	vsub.f32 v53, v52;
	v26 =	vmul.f32 v62, v23  }
0x240: {  	v28 =	vsub.f32 v39, v52;
	v33 =	vmul.f32 v58, v63;
	v23 =	vmul.f32 v58, v19  }
0x241: {  	s31 =	simm.s32 $0x12FA0;
	[tilespmem:s1+$0x0] =	vst v61;
	v38 =	vadd.f32 v42, v11;
	v19 =	vmul.f32 v58, v41;
	v22 =	vsub.f32 v22, v30  }
0x242: {  	s2 =	simm.s32 $0x5;
	s3 =	simm.s32 $0x9920;
	[tilespmem:s31+$0x110] =	vst v60;
	v25 =	vsub.f32 v20, v30;
	v30 =	vmul.f32 v58, v57;
	v20 =	vadd.f32 v40, v8  }
.LBB2_5:
0x243: {  	v39 =	vld [tilespmem:s3+$0x60];
	v40 =	vmul.f32 v26, v48;
	v41 =	vmul.f32 v26, v44;
	s0 =	sadd.s32 $0x140, s0;
	[tilespmem:s1+$0x10] =	vst v38;
	v13 =	vadd.f32 v13, v9  }
0x244: {  	v32 =	vmul.f32 v26, v32;
	v26 =	vmul.f32 v26, v34;
	v12 =	vadd.f32 v12, v10;
	v38 =	vld [tilespmem:s0+$0x60];
	[tilespmem:s1+$0x60] =	vst v20  }
0x245: {  	v29 =	vmul.f32 v24, v29;
	v31 =	vmul.f32 v24, v31;
	v20 =	vld [tilespmem:s3+$0x70];
	[tilespmem:s1+$0x70] =	vst v13;
	v13 =	vadd.f32 v14, v11  }
0x246: {  	v27 =	vmul.f32 v24, v27;
	v24 =	vmul.f32 v24, v28;
	v14 =	vld [tilespmem:s0+$0x70];
	[tilespmem:s1+$0x80] =	vst v12;
	v12 =	vadd.f32 v15, v8  }
0x247: {  	v28 =	vmul.f32 v17, v22;
	v25 =	vmul.f32 v17, v25;
	v15 =	vld [tilespmem:s3+$0x80];
	[tilespmem:s1+$0x90] =	vst v13;
	v13 =	vadd.f32 v16, v9  }
0x248: {  	v22 =	vmul.f32 v43, v4;
	v34 =	vmul.f32 v17, v21;
	v16 =	vld [tilespmem:s0+$0x80];
	[tilespmem:s1+$0xE0] =	vst v12;
	v12 =	vadd.f32 v18, v10  }
0x249: {  	v21 =	vmul.f32 v35, v5;
	v35 =	vmul.f32 v36, v6;
	v18 =	vld [tilespmem:s3+$0x90];
	[tilespmem:s1+$0xF0] =	vst v13  }
0x24a: {  	v36 =	vmul.f32 v37, v7;
	v33 =	vmul.f32 v33, v4;
	v22 =	vadd.f32 v22, v8;
	v13 =	vld [tilespmem:s0+$0x90];
	[tilespmem:s1+$0x100] =	vst v12;
	s1 =	smov.u32 s31  }
0x24b: {  	s2 =	sadd.s32 $0x5, s2;
	v37 =	vmul.f32 v23, v5;
	v43 =	vmul.f32 v30, v6;
	v12 =	vadd.f32 v21, v9;
	v17 =	vld [tilespmem:s0+$0xFFFFFF60]  }
0x24c: {  	p0 =	slt.u32 s2, $0xC3;
	v23 =	vadd.f32 v35, v10;
	v35 =	vmul.f32 v19, v7;
	v44 =	vmul.f32 v40, v4;
	v30 =	vld [tilespmem:s3+$0xFFFFFF70];
	[tilespmem:s31+$0xFFFFFEE0] =	vst v22  }
0x24d: {  	v32 =	vmul.f32 v32, v6;
	v42 =	vld [tilespmem:s0+$0xFFFFFF70];
	[tilespmem:s31+$0xFFFFFEF0] =	vst v12;
	v12 =	vadd.f32 v36, v11;
	v36 =	vmul.f32 v41, v5  }
0x24e: {  	v19 =	vmul.f32 v26, v7;
	v21 =	vadd.f32 v14, v20;
	v22 =	vadd.f32 v38, v39;
	v45 =	vld [tilespmem:s3+$0xFFFFFF80];
	[tilespmem:s31+$0xFFFFFF00] =	vst v23  }
0x24f: {  	v20 =	vmul.f32 v29, v4;
	v23 =	vadd.f32 v16, v15;
	v26 =	vld [tilespmem:s0+$0xFFFFFF80];
	v40 =	vadd.f32 v13, v18;
	[tilespmem:s31+$0xFFFFFF10] =	vst v12  }
0x250: {  	v14 =	vadd.f32 v21, v22;
	v13 =	vmul.f32 v31, v5;
	v12 =	vmul.f32 v27, v6;
	v29 =	vld [tilespmem:s3+$0xFFFFFF90]  }
0x251: {  	v16 =	vmul.f32 v22, v22;
	v18 =	vmul.f32 v21, v21;
	v31 =	vld [tilespmem:s0+$0xFFFFFF90];
	v15 =	vadd.f32 v40, v23  }
0x252: {  	v39 =	vmul.f32 v40, v40;
	v27 =	vadd.f32 v42, v30;
	v38 =	vld [tilespmem:s3+$0xFFFFFFA0];
	v30 =	vmul.f32 v23, v23  }
0x253: {  	v42 =	vld [tilespmem:s0+$0xFFFFFFA0];
	v46 =	vadd.f32 v15, v14;
	v14 =	vmul.f32 v24, v7;
	v15 =	vmul.f32 v28, v4  }
0x254: {  	v47 =	vadd.f32 v18, v16;
	v41 =	vmul.f32 v27, v27;
	v28 =	vld [tilespmem:s3+$0xFFFFFFB0];
	v39 =	vadd.f32 v39, v30  }
0x255: {  	v16 =	vmul.f32 v25, v5;
	v18 =	vmul.f32 v34, v6;
	v30 =	vadd.f32 v26, v45;
	v26 =	vld [tilespmem:s0+$0xFFFFFFB0]  }
0x256: {  	v34 =	vperm.xlane v46, v0;
	v24 =	vadd.f32 v31, v29;
	v29 =	vld [tilespmem:s3+$0xFFFFFFC0];
	v31 =	vadd.f32 v39, v47  }
0x257: {  	v33 =	vadd.f32 v33, v8;
	v37 =	vadd.f32 v37, v9;
	v39 =	vmul.f32 v30, v30;
	v45 =	vld [tilespmem:s0+$0xFFFFFFC0]  }
0x258: {  	v34 =	vadd.f32 v46, v34;
	v25 =	vadd.f32 v42, v38;
	v38 =	vld [tilespmem:s3+$0xFFFFFFD0];
	v46 =	vperm.xlane v31, v0  }
0x259: {  	v42 =	vadd.f32 v24, v30;
	v47 =	vmul.f32 v24, v24;
	v48 =	vld [tilespmem:s0+$0xFFFFFFD0];
	[tilespmem:s31+$0xFFFFFF60] =	vst v33;
	v33 =	vadd.f32 v43, v10  }
0x25a: {  	v49 =	vperm.xlane v34, v1;
	v26 =	vadd.f32 v26, v28;
	v43 =	vld [tilespmem:s3+$0xFFFFFFE0];
	v31 =	vadd.f32 v46, v31;
	[tilespmem:s31+$0xFFFFFF70] =	vst v37  }
0x25b: {  	v46 =	vadd.f32 v47, v39;
	v37 =	vmul.f32 v25, v25;
	v39 =	vld [tilespmem:s0+$0xFFFFFFE0];
	[tilespmem:s31+$0xFFFFFF80] =	vst v33;
	v33 =	vadd.f32 v35, v11  }
0x25c: {  	v34 =	vadd.f32 v34, v49;
	v28 =	vadd.f32 v45, v29;
	v35 =	vld [tilespmem:s3+$0xFFFFFFF0];
	v45 =	vperm.xlane v31, v1  }
0x25d: {  	v47 =	vadd.f32 v26, v25;
	v49 =	vmul.f32 v26, v26;
	v50 =	vld [tilespmem:s0+$0xFFFFFFF0];
	[tilespmem:s31+$0xFFFFFF90] =	vst v33;
	v33 =	vadd.f32 v44, v8  }
0x25e: {  	v44 =	vperm.xlane v34, v2;
	v29 =	vadd.f32 v48, v38;
	v38 =	vld [tilespmem:s3+$0x0];
	v45 =	vadd.f32 v45, v31  }
0x25f: {  	v37 =	vadd.f32 v49, v37;
	v48 =	vmul.f32 v28, v28;
	v49 =	vld [tilespmem:s0+$0x0];
	[tilespmem:s31+$0xFFFFFFE0] =	vst v33;
	v33 =	vadd.f32 v36, v9  }
0x260: {  	v31 =	vadd.f32 v39, v43;
	v36 =	vld [tilespmem:s3+$0x10];
	v39 =	vadd.f32 v34, v44;
	v34 =	vperm.xlane v45, v2  }
0x261: {  	v43 =	vadd.f32 v29, v28;
	v44 =	vmul.f32 v29, v29;
	v51 =	vld [tilespmem:s0+$0x10];
	[tilespmem:s31+$0xFFFFFFF0] =	vst v33;
	v33 =	vadd.f32 v32, v10  }
0x262: {  	v32 =	vadd.f32 v50, v35;
	v50 =	vld [tilespmem:s3+$0x20];
	v35 =	vperm.xlane v39, v3;
	v45 =	vadd.f32 v34, v45  }
0x263: {  	v43 =	vadd.f32 v43, v47;
	v44 =	vadd.f32 v44, v48;
	v47 =	vmul.f32 v31, v31;
	v48 =	vld [tilespmem:s0+$0x20];
	[tilespmem:s31+$0x0] =	vst v33  }
0x264: {  	v34 =	vadd.f32 v49, v38;
	v38 =	vld [tilespmem:s3+$0x30];
	v33 =	vadd.f32 v39, v35;
	v39 =	vperm.xlane v45, v3  }
0x265: {  	v44 =	vadd.f32 v44, v37;
	v49 =	vadd.f32 v32, v31;
	v37 =	vmul.f32 v32, v32;
	v52 =	vld [tilespmem:s0+$0x30]  }
0x266: {  	v35 =	vadd.f32 v51, v36;
	v51 =	vld [tilespmem:s3+$0x40];
	v33 =	vmul.f32 $1.562500000e-02, v33;
	v39 =	vadd.f32 v39, v45  }
0x267: {  	v45 =	vperm.xlane v43, v0;
	v47 =	vadd.f32 v37, v47;
	v53 =	vmul.f32 v34, v34;
	v54 =	vld [tilespmem:s0+$0x40]  }
0x268: {  	v36 =	vadd.f32 v48, v50;
	v48 =	vld [tilespmem:s3+$0x50];
	v39 =	vmul.f32 $1.562500000e-02, v39;
	v50 =	vmul.f32 v33, v33  }
0x269: {  	v43 =	vadd.f32 v43, v45;
	v45 =	vadd.f32 v35, v34;
	v55 =	vmul.f32 v35, v35;
	v56 =	vld [tilespmem:s0+$0x50]  }
0x26a: {  	v57 =	vld [tilespmem:s3+$0xFFFFFF60];
	v37 =	vadd.f32 v52, v38;
	v52 =	vmul.f32 v36, v36;
	v39 =	vsub.f32 v39, v50  }
0x26b: {  	v50 =	vperm.xlane v44, v0;
	v45 =	vadd.f32 v45, v49;
	v49 =	vadd.f32 v55, v53  }
0x26c: {  	v38 =	vadd.f32 v54, v51;
	v51 =	vmul.f32 v37, v37;
	v53 =	vadd.f32 $9.999999740e-06, v39  }
0x26d: {  	v47 =	vadd.f32 v49, v47;
	v49 =	vperm.xlane v45, v0;
	v54 =	vadd.f32 v37, v36  }
0x26e: {  	v39 =	vadd.f32 v56, v48;
	v48 =	vshra.s32 v53, $0x1;
	v53 =	vmul.f32 $5.000000000e-01, v53  }
0x26f: {  	v55 =	vadd.f32 v17, v57;
	v17 =	vmul.f32 v38, v38;
	v48 =	vsub.s32 $0x5F375A86, v48  }
0x270: {  	v56 =	vadd.f32 v39, v38;
	v57 =	vmul.f32 v39, v39;
	v53 =	vmul.f32 v48, v53  }
0x271: {  	v51 =	vadd.f32 v51, v52;
	v58 =	vadd.f32 v27, v55;
	v59 =	vmul.f32 v55, v55  }
0x272: {  	v52 =	vadd.f32 v56, v54;
	v17 =	vadd.f32 v57, v17;
	v53 =	vmul.f32 v48, v53  }
0x273: {  	v54 =	vperm.xlane v47, v0;
	v42 =	vadd.f32 v42, v58;
	v41 =	vadd.f32 v41, v59  }
0x274: {  	v51 =	vadd.f32 v17, v51;
	v17 =	vperm.xlane v52, v0;
	v53 =	vsub.f32 $1.500000000e+00, v53  }
0x275: {  	v45 =	vadd.f32 v45, v49;
	v41 =	vadd.f32 v46, v41;
	v46 =	vperm.xlane v42, v0  }
0x276: {  	v40 =	vsub.f32 v40, v33;
	v49 =	vadd.f32 v52, v17;
	v17 =	vmul.f32 v48, v53  }
0x277: {  	v48 =	vperm.xlane v51, v0;
	v42 =	vadd.f32 v42, v46;
	v46 =	vperm.xlane v41, v0  }
0x278: {  	v44 =	vadd.f32 v50, v44;
	v52 =	vperm.xlane v43, v1;
	v40 =	vmul.f32 v17, v40  }
0x279: {  	v50 =	vperm.xlane v42, v1;
	v41 =	vadd.f32 v46, v41;
	v46 =	vperm.xlane v45, v1  }
0x27a: {  	v47 =	vadd.f32 v54, v47;
	v53 =	vperm.xlane v49, v1;
	v40 =	vmul.f32 v40, v7  }
0x27b: {  	v48 =	vadd.f32 v48, v51;
	v42 =	vadd.f32 v42, v50;
	v50 =	vperm.xlane v41, v1  }
0x27c: {  	v43 =	vadd.f32 v43, v52;
	v51 =	vperm.xlane v44, v1;
	v40 =	vadd.f32 v40, v11  }
0x27d: {  	s31 =	sadd.s32 $0x280, s31;
	v49 =	vadd.f32 v49, v53;
	v45 =	vadd.f32 v45, v46;
	v46 =	vperm.xlane v47, v1  }
0x27e: {  	v52 =	vperm.xlane v42, v2;
	v41 =	vadd.f32 v50, v41;
	v50 =	vperm.xlane v48, v1;
	[tilespmem:s31+$0x110] =	vst v40  }
0x27f: {  	v44 =	vadd.f32 v51, v44;
	v51 =	vperm.xlane v45, v2;
	v40 =	vperm.xlane v43, v2  }
0x280: {  	v46 =	vadd.f32 v46, v47;
	v47 =	vperm.xlane v49, v2;
	v48 =	vadd.f32 v50, v48  }
0x281: {  	v42 =	vadd.f32 v42, v52;
	v50 =	vperm.xlane v41, v2;
	v40 =	vadd.f32 v43, v40  }
0x282: {  	v45 =	vadd.f32 v45, v51;
	v51 =	vperm.xlane v46, v2;
	v43 =	vperm.xlane v44, v2  }
0x283: {  	v47 =	vadd.f32 v49, v47;
	v52 =	vperm.xlane v42, v3;
	v49 =	vperm.xlane v48, v2  }
0x284: {  	v41 =	vadd.f32 v50, v41;
	v50 =	vperm.xlane v40, v3;
	v43 =	vadd.f32 v43, v44  }
0x285: {  	v46 =	vadd.f32 v51, v46;
	v51 =	vperm.xlane v47, v3;
	v44 =	vperm.xlane v45, v3  }
0x286: {  	v42 =	vadd.f32 v42, v52;
	v52 =	vperm.xlane v41, v3;
	v48 =	vadd.f32 v49, v48  }
0x287: {  	v40 =	vadd.f32 v40, v50;
	v49 =	vperm.xlane v43, v3;
	v44 =	vadd.f32 v45, v44  }
0x288: {  	v47 =	vadd.f32 v47, v51;
	v45 =	vperm.xlane v46, v3;
	v50 =	vperm.xlane v48, v3  }
0x289: {  	v42 =	vmul.f32 $1.562500000e-02, v42;
	v41 =	vadd.f32 v52, v41;
	v40 =	vmul.f32 $1.562500000e-02, v40  }
0x28a: {  	v43 =	vadd.f32 v49, v43;
	v49 =	vmul.f32 $1.562500000e-02, v44;
	v44 =	vadd.f32 v45, v46  }
0x28b: {  	v45 =	vmul.f32 $1.562500000e-02, v47;
	v41 =	vmul.f32 $1.562500000e-02, v41;
	v46 =	vadd.f32 v50, v48  }
0x28c: {  	v47 =	vmul.f32 v42, v42;
	v50 =	vsub.f32 v55, v42;
	v43 =	vmul.f32 $1.562500000e-02, v43  }
0x28d: {  	v27 =	vsub.f32 v27, v42;
	v48 =	vmul.f32 v40, v40;
	v44 =	vmul.f32 $1.562500000e-02, v44  }
0x28e: {  	v41 =	vsub.f32 v41, v47;
	v47 =	vmul.f32 v49, v49;
	v46 =	vmul.f32 $1.562500000e-02, v46  }
0x28f: {  	v30 =	vsub.f32 v30, v42;
	v43 =	vsub.f32 v43, v48;
	v48 =	vmul.f32 v45, v45  }
0x290: {  	v41 =	vadd.f32 $9.999999740e-06, v41;
	v44 =	vsub.f32 v44, v47  }
0x291: {  	v43 =	vadd.f32 $9.999999740e-06, v43;
	v46 =	vsub.f32 v46, v48  }
0x292: {  	v47 =	vshra.s32 v41, $0x1;
	v41 =	vmul.f32 $5.000000000e-01, v41;
	v44 =	vadd.f32 $9.999999740e-06, v44  }
0x293: {  	v48 =	vshra.s32 v43, $0x1;
	v43 =	vmul.f32 $5.000000000e-01, v43;
	v46 =	vadd.f32 $9.999999740e-06, v46  }
0x294: {  	v47 =	vsub.s32 $0x5F375A86, v47;
	v51 =	vshra.s32 v44, $0x1;
	v44 =	vmul.f32 $5.000000000e-01, v44  }
0x295: {  	v48 =	vsub.s32 $0x5F375A86, v48;
	v52 =	vshra.s32 v46, $0x1;
	v46 =	vmul.f32 $5.000000000e-01, v46  }
0x296: {  	v41 =	vmul.f32 v47, v41;
	v51 =	vsub.s32 $0x5F375A86, v51;
	v52 =	vsub.s32 $0x5F375A86, v52  }
0x297: {  	v42 =	vsub.f32 v24, v42;
	v24 =	vmul.f32 v48, v43;
	v43 =	vmul.f32 v51, v44  }
0x298: {  	v53 =	vsub.f32 v25, v40;
	v41 =	vmul.f32 v47, v41;
	v25 =	vmul.f32 v52, v46  }
0x299: {  	v24 =	vmul.f32 v48, v24;
	v46 =	vsub.f32 v26, v40;
	v26 =	vmul.f32 v51, v43  }
0x29a: {  	v54 =	vsub.f32 v28, v40;
	v41 =	vsub.f32 $1.500000000e+00, v41;
	v25 =	vmul.f32 v52, v25  }
0x29b: {  	v24 =	vsub.f32 $1.500000000e+00, v24;
	v26 =	vsub.f32 $1.500000000e+00, v26  }
0x29c: {  	v40 =	vsub.f32 v29, v40;
	v41 =	vmul.f32 v47, v41;
	v25 =	vsub.f32 $1.500000000e+00, v25  }
0x29d: {  	v47 =	vmul.f32 v48, v24;
	v48 =	vsub.f32 v31, v49;
	v26 =	vmul.f32 v51, v26  }
0x29e: {  	v44 =	vsub.f32 v32, v49;
	v32 =	vsub.f32 v34, v49;
	v24 =	vmul.f32 v52, v25  }
0x29f: {  	v34 =	vsub.f32 v35, v49;
	v29 =	vsub.f32 v36, v45;
	v43 =	vmul.f32 v41, v50  }
.Ltmp1:
0x2a0: {  	v31 =	vsub.f32 v37, v45;
	v35 =	vmul.f32 v41, v27;
	v27 =	vsub.f32 v38, v45;
	(pc) =	sbr.rel @p0 .LBB2_5-.Ltmp1, $4  }
0x2a1: {  	v22 =	vsub.f32 v22, v33;
	v28 =	vsub.f32 v39, v45;
	v36 =	vmul.f32 v41, v30  }
0x2a2: {  	v37 =	vmul.f32 v41, v42;
	v25 =	vsub.f32 v21, v33;
	v21 =	vsub.f32 v23, v33  }
0x2a3: {  	v38 =	vadd.f32 v19, v11;
	v33 =	vmul.f32 v47, v53;
	v23 =	vmul.f32 v47, v46  }
0x2a4: {  	v20 =	vadd.f32 v20, v8;
	s3 =	sadd.s32 $0x140, s3;
	v30 =	vmul.f32 v47, v54;
	v19 =	vmul.f32 v47, v40  }
0x2a5: {  	[tilespmem:s1+$0x10] =	vst v38;
	v13 =	vadd.f32 v13, v9  }
0x2a6: {  	v12 =	vadd.f32 v12, v10;
	[tilespmem:s1+$0x60] =	vst v20  }
0x2a7: {  	v52 =	vadd.f32 v14, v11;
	[tilespmem:s1+$0x70] =	vst v13  }
0x2a8: {  	v53 =	vadd.f32 v15, v8;
	[tilespmem:s1+$0x80] =	vst v12  }
0x2a9: {  	v54 =	vadd.f32 v16, v9;
	v55 =	vmul.f32 v43, v4;
	[tilespmem:s1+$0x90] =	vst v52  }
0x2aa: {  	v56 =	vadd.f32 v18, v10;
	v57 =	vmul.f32 v35, v5;
	[tilespmem:s1+$0xE0] =	vst v53  }
0x2ab: {  	v58 =	vmul.f32 v36, v6;
	[tilespmem:s1+$0xF0] =	vst v54;
	v59 =	vadd.f32 v55, v8  }
0x2ac: {  	v60 =	vmul.f32 v37, v7;
	[tilespmem:s1+$0x100] =	vst v56;
	v61 =	vadd.f32 v57, v9  }
0x2ad: {  	v62 =	vmul.f32 v33, v4;
	v63 =	vadd.f32 v58, v10;
	[tilespmem:s31+$0xFFFFFEE0] =	vst v59  }
0x2ae: {  	v23 =	vmul.f32 v23, v5;
	v33 =	vadd.f32 v60, v11;
	[tilespmem:s31+$0xFFFFFEF0] =	vst v61  }
0x2af: {  	v35 =	vmul.f32 v26, v48;
	v36 =	vmul.f32 v30, v6;
	v37 =	vadd.f32 v62, v8;
	[tilespmem:s31+$0xFFFFFF00] =	vst v63  }
0x2b0: {  	v38 =	vmul.f32 v26, v44;
	v19 =	vmul.f32 v19, v7;
	v39 =	vadd.f32 v23, v9;
	[tilespmem:s31+$0xFFFFFF10] =	vst v33  }
0x2b1: {  	v40 =	vmul.f32 v26, v32;
	v14 =	vmul.f32 v35, v4;
	v41 =	vadd.f32 v36, v10;
	[tilespmem:s31+$0xFFFFFF60] =	vst v37  }
0x2b2: {  	v42 =	vmul.f32 v26, v34;
	v15 =	vmul.f32 v38, v5;
	v43 =	vadd.f32 v19, v11;
	[tilespmem:s31+$0xFFFFFF70] =	vst v39  }
0x2b3: {  	v44 =	vmul.f32 v24, v29;
	v16 =	vmul.f32 v40, v6;
	v45 =	vadd.f32 v14, v8;
	[tilespmem:s31+$0xFFFFFF80] =	vst v41  }
0x2b4: {  	v46 =	vmul.f32 v24, v31;
	v18 =	vmul.f32 v42, v7;
	v47 =	vadd.f32 v15, v9;
	[tilespmem:s31+$0xFFFFFF90] =	vst v43  }
0x2b5: {  	v48 =	vmul.f32 v24, v27;
	v19 =	vmul.f32 v44, v4;
	v49 =	vadd.f32 v16, v10;
	[tilespmem:s31+$0xFFFFFFE0] =	vst v45  }
0x2b6: {  	v50 =	vmul.f32 v24, v28;
	v14 =	vmul.f32 v46, v5;
	v51 =	vadd.f32 v18, v11;
	[tilespmem:s31+$0xFFFFFFF0] =	vst v47  }
0x2b7: {  	v52 =	vmul.f32 v17, v22;
	v15 =	vmul.f32 v48, v6;
	v53 =	vadd.f32 v19, v8;
	[tilespmem:s31+$0x0] =	vst v49  }
0x2b8: {  	v54 =	vmul.f32 v17, v25;
	v16 =	vmul.f32 v50, v7;
	[tilespmem:s31+$0x10] =	vst v51;
	v55 =	vadd.f32 v14, v9  }
0x2b9: {  	v56 =	vmul.f32 v17, v21;
	v57 =	vmul.f32 v52, v4;
	v58 =	vadd.f32 v15, v10;
	[tilespmem:s31+$0x60] =	vst v53  }
0x2ba: {  	s29 =	sadd.s32 $0x1, s29;
	v59 =	vmul.f32 v54, v5;
	v60 =	vadd.f32 v16, v11;
	[tilespmem:s31+$0x70] =	vst v55  }
0x2bb: {  	p0 =	sne.s32 s29, $0x40;
	v14 =	vmul.f32 v56, v6;
	v61 =	vadd.f32 v57, v8;
	[tilespmem:s31+$0x80] =	vst v58  }
.Ltmp2:
0x2bc: {  	s0 =	sadd.s32 s9, s30;
	v62 =	vadd.f32 v59, v9;
	[tilespmem:s31+$0x90] =	vst v60;
	(pc) =	sbr.rel @p0 .LBB2_2-.Ltmp2, $4  }
0x2bd: {  	s0 =	sshll.u32 s0, $0x4;
	[tilespmem:s31+$0xE0] =	vst v61;
	v63 =	vadd.f32 v14, v10  }
0x2be: {  	s0 =	sand.u32 $0x1FFFFF80, s0;
	[tilespmem:s31+$0xF0] =	vst v62  }
0x2bf: {  	s0 =	sadd.s32 s7, s0;
	[tilespmem:s31+$0x100] =	vst v63  }
0x2c0: {  	[hbm4b:s0+s4] =	stream.linear.scatter [tilespmem:s24], [sflag:$0x4], $0x6400, $0x38;
	[tilespmem:$0x1C280] =	vst v63  }
0x2c1: {  	s28 =	sadd.s32 $0x1, s28  }
0x2c2: {  	_ =	swait.ge [sflag:s25], $0x6400;
	p0 =	sne.s32 s28, s10  }
.Ltmp3:
0x2c3: {  	[sflag:s25] =	ssyncset.done $0x0;
	(pc) =	sbr.rel @p0 .LBB2_1-.Ltmp3, $4  }
0x2c4: {  	[sflag:s25] =	ssyncadd.s32 $0xFFFF9C00  }
0x2c5: {  	_ =	swait.ge [sflag:s26], $0x6400  }
0x2c6: {  	[sflag:s26] =	ssyncset.done $0x0  }
0x2c7: {  	[sflag:s26] =	ssyncadd.s32 $0xFFFF9C00  }
0x2c8: {  	_ =	sfence.sel $0x180000  }
0x2c9: {  	[bflag:$0x0] =	sbarrier.arrive $0xFFFF  }
0x2ca: {  	_ =	strace $0x90000047  }
0x2cb: {  	s0 =	stileid.u32;
	[bflag:$0x2] =	sbarrier.arrive $0xFFFF  }
0x2cc: {  	p0 =	sne.s32 s0, $0x0;
	s0 =	rddreg [dreg:$0x3]  }
0x2cd: {  	s0 =	sadd.s32 @!p0 $0x100000, s0  }
0x2ce: {  	[sflag:s0] =	ssyncadd.tile.s32 @!p0 $0x1;
	_ =	shalt  }
.Lfunc_end2:
_tile_overlayer_lowered:
.L_overlay_start_2:
0x2cf: {  	(tag) =	ssettag $0x2  }
0x2d0: {  	s0 =	rddreg [dreg:$0x0];
	s2 =	stileid.u32  }
0x2d1: {  	s1 =	rddreg [dreg:$0x1];
	p0 =	sne.s32 s2, $0x0  }
0x2d2: {  	s3 =	rddreg [dreg:$0x2];
	[bflag:$0x3] =	sbarrier.arrive $0xFFFF;
	s2 =	simm.s32 @!p0 $0x1C05  }
0x2d3: {  	[timem:s3], [sflag:s2] =	dma.local @!p0 [hbm:s0], s1  }
0x2d4: {  	s0 =	simm.s32 @!p0 $0x5  }
0x2d5: {  	_ =	swait.ge @!p0 [sflag:s0], s1  }
0x2d6: {  	s1 =	ssub.s32 @!p0 $0x0, s1;
	[sflag:s0] =	ssyncset.done @!p0 $0x0  }
0x2d7: {  	[sflag:s0] =	ssyncadd.s32 @!p0 s1  }
0x2d8: {  	[bflag:$0x3] =	sbarrier.arrive $0xFFFF  }
0x2d9: {  	_ =	shalt  }

// kernel: sparse-core-data-format-call.cloned.1.call-start
scs
called_computation_lowered:
.L_overlay_start_0:
0x0: {  	s2 =	sld [smem:$0x3FD9]  }
0x1: {  	s3 =	sld [smem:$0x3FFE];
	_ =	sdelay $0x1  }
0x2: {  	s1 =	srdreg.scid  }
0x3: {  	s0 =	sand.u32 $0x1, s1  }
0x4: {  	s18 =	sshll.u32 s0, $0xA;
	s2 =	sadd.s32 s3, s2  }
0x5: {  	s2 =	sadd.s32 s2, s18  }
0x6: {  	[smem:$0x3FC3] =	sst s2  }
0x7: {  	_ = 	snop  }
0x8: {  	s2 =	sld [smem:$0x3FD0];
	(tm) =	ssettm $0x1  }
0x9: {  	s19 =	sld [smem:$0x3FFB];
	_ =	sdelay $0x3  }
0xa: {  	_ =	strace s19  }
0xb: {  	s3 =	sld [smem:$0x3FFC];
	_ =	sdelay $0x3  }
0xc: {  	_ =	strace s3  }
0xd: {  	s3 =	sld [smem:$0x3FFD];
	_ =	sdelay $0x3  }
0xe: {  	_ =	strace s3  }
0xf: {  	_ =	strace $0x8FFFFFFF  }
0x10: {  	s20 =	sld [smem:$0x3FDB];
	_ =	sdelay $0x1  }
0x11: {  	s4 =	simm.s32 $_scs_section_size  }
0x12: {  	s5 =	simm.s32 $_size__tile_overlayer_lowered;
	s6 =	simm.s32 $_tile_overlayer_lowered  }
0x13: {  	s23 =	simm.s32 $0x1BFF;
	s22 =	sshll.u32 s6, $0x1;
	s3 =	sadd.s32 s4, s20  }
0x14: {  	s7 =	simm.s32 $0x0;
	s21 =	sshll.u32 s5, $0x1;
	s5 =	sadd.s32 s22, s3  }
0x15: {  	[timem:s7], [sflag:s23] =	dma.local [hbm:s5], s21  }
0x16: {  	_ =	swait.ge [sflag:s23], s21  }
0x17: {  	s4 =	ssub.s32 $0x0, s21;
	[sflag:s23] =	ssyncset.done $0x0  }
0x18: {  	[sflag:s23] =	ssyncadd.s32 s4;
	_ =	sdelay $0x1  }
0x19: {  	s24 =	simm.s32 $0x1B8B  }
0x1a: {  	_ =	swait.ge [sflag:s24], $0x1  }
0x1b: {  	[sflag:s24] =	ssyncset.done $0x0  }
0x1c: {  	s26 =	simm.s32 $0x1B8E;
	s25 =	sld [smem:$0x3FFE];
	[sflag:s24] =	ssyncadd.s32 $0xFFFFFFFF  }
0x1d: {  	s27 =	simm.s32 $execute0_lowered;
	[smem:$0x3FD2] =	sst s26  }
0x1e: {  	s5 =	sshll.u32 s27, $0x1;
	_ =	strace $0x80000049;
	[dreg:$0x1] =	wrdreg $0xFFFFFFFF  }
0x1f: {  	s28 =	simm.s32 $_size_execute0_lowered;
	s3 =	sadd.s32 s3, s5;
	[dreg:$0x0] =	wrdreg $0x0  }
0x20: {  	s5 =	sshll.u32 s28, $0x1;
	[dreg:$0x2] =	wrdreg s3  }
0x21: {  	[dreg:$0x3] =	wrdreg s5  }
0x22: {  	[dreg:$0x4] =	wrdreg $0xC0  }
0x23: {  	_ =	task [dreg:s7], $0x5FFFF  }
0x24: {  	[dreg:$0x1] =	wrdreg $0xFFFFFFFF  }
0x25: {  	[dreg:$0x0] =	wrdreg $0x60  }
0x26: {  	[dreg:$0x2] =	wrdreg s25  }
0x27: {  	[dreg:$0x3] =	wrdreg s2  }
0x28: {  	[dreg:$0x4] =	wrdreg $0x9  }
0x29: {  	_ =	task.clear_ibuf [dreg:s7], $0x5FFFF;
	_ =	strace $0x90000049  }
0x2a: {  	s29 =	simm.s32 $0x9;
	_ =	strace $0x8000004B  }
0x2b: {  	_ =	swait.ge [sflag:s29], $0x1  }
0x2c: {  	[sflag:s29] =	ssyncadd.s32 $0xFFFFFFFF  }
0x2d: {  	_ =	strace $0x9000004B  }
0x2e: {  	_ =	sfence  }
0x2f: {  	s30 =	sld [smem:$0x0];
	_ =	sdelay $0x2  }
0x30: {  	s31 =	sshll.u32 s1, $0xD;
	s1 =	sshrl.u32 s1, $0x2  }
0x31: {  	s3 =	sand.u32 $0x4000, s31;
	s1 =	sadd.s32 s1, s30  }
0x32: {  	s0 =	sor.u32 s3, s0;
	s1 =	sshll.u32 s1, $0x11  }
0x33: {  	s0 =	sor.u32 s1, s0  }
0x34: {  	s0 =	sadd.s32 $0x8F2B, s0  }
0x35: {  	[sflag:s0] =	ssyncadd.remote.s32 $0x1  }
0x36: {  	_ =	sfence.sel $0xFFFF  }
0x37: {  	[dreg:$0x0] =	wrdreg $0xFFFFFFFF;
	(pc) =	sbr.abs _section_cstart, $3  }
0x38: {  	[dreg:$0x1] =	wrdreg $0xFFFFFFFF  }
0x39: {  	_ =	task.clear_ibuf [dreg:s7], $0x2FFFF;
	_ =	strace $0x9FFFFFFF  }
0x3a: {  	(tm) =	ssettm $0x7FFFFFFF  }
0x3b: {  	_ =	shalt  }
tec
execute0_lowered:
.L_overlay_start_1:
0x0: {  	(tag) =	ssettag $0x1  }
0x1: {  	s0 =	srdreg.scid  }
0x2: {  	s1 =	sshll.u32 s0, $0x4  }
0x3: {  	s0 =	stileid.u32;
	s1 =	sand.u32 $0x10, s1  }
0x4: {  	s1 =	sor.u32 s0, s1  }
0x5: {  	s6 =	rddreg [dreg:$0x0];
	s4 =	simm.s32 $0x1;
	s2 =	sshll.u32 s1, $0x7  }
0x6: {  	s7 =	simm.s32 $0x2;
	s12 =	simm.s32 $0x0;
	s1 =	ssub.s32 $0x1000, s2  }
0x7: {  	s8 =	simm.s32 $0x8000;
	s13 =	simm.s32 $0x0;
	s3 =	sand.u32 $0xF80, s1  }
0x8: {  	s9 =	simm.s32 $0x0;
	s5 =	sshrl.u32 s1, $0xC;
	p0 =	sne.s32 s3, $0x0  }
.Ltmp0:
0x9: {  	s1 =	rddreg [dreg:$0x2];
	s4 =	simm.s32 @!p0 $0x0;
	(pc) =	sbr.rel .LBB1_1-.Ltmp0, $4  }
0xa: {  	s11 =	simm.s32 $0x0;
	s3 =	rddreg [dreg:$0x1];
	s5 =	sadd.s32 s4, s5  }
0xb: {  	_ =	strace $0x8000004A;
	s4 =	simm.s32 $0x1;
	s5 =	smul.u32 $0xC8, s5  }
0xc: {  	s6 =	sadd.s32 $0xDD600, s6;
	s10 =	smov.u32 s2;
	[sflag:s4] =	ssyncpa.u1 $0x0  }
0xd: {  	p0 =	por $0x0, $0x0;
	[sflag:s7] =	ssyncpa.u1 $0x0;
	s7 =	sor.u32 $0x1, s5  }
.LBB1_4:
0xe: {  	s16 =	sshll.u32 s13, $0x3;
	s17 =	sand.u32 $0x78, s13  }
0xf: {  	s30 =	sand.u32 $0x7E00, s13;
	s12 =	sshll.u32 s12, $0xF;
	s16 =	sand.u32 $0xC00, s16  }
0x10: {  	[tilespmem:s15+$0x810 ss:$0x81] =	vst.msk $0xffff, v2;
	s31 =	sand.u32 $0x7, s13;
	s16 =	sor.u32 s17, s16;
	s17 =	sadd.s32 s3, s30  }
0x11: {  	[tilespmem:s15+$0x1020 ss:$0x81] =	vst.msk $0xffff, v0;
	s13 =	sshll.u32 s31, $0x12;
	s12 =	sadd.s32 s12, s17;
	s16 =	sshrl.u32 s16, $0x3  }
0x12: {  	[tilespmem:s15+$0x0 ss:$0x81] =	vst.msk $0xffff, v1;
	s13 =	sor.u32 $0x400, s13;
	s12 =	sadd.s32 s16, s12  }
0x13: {  	[hbm4b:s12+s13] =	stream.strided.scatter [tilespmem:s14], [sflag:$0x2], $0x2000, s8, s13, $0x20;
	[tilespmem:$0x8080] =	vst v63  }
.LBB1_5:
0x14: {  	s14 =	sadd.s32 $0x1, s9  }
0x15: {  	s12 =	sadd.s32 $0x1000, s10;
	s16 =	smov.u32 s10;
	p2 =	sgt.s32 s14, $0xC7  }
0x16: {  	s16 =	smov.u32 @p2 s12  }
0x17: {  	s14 =	simm.s32 @p2 $0x0;
	p2 =	sgt.s32 s16, $0xFFF  }
0x18: {  	s16 =	smov.u32 @p2 s2;
	p2 =	sne.s32 s11, s7  }
.Ltmp1:
0x19: {  	p1 =	slt.u32 s11, $0x2;
	(pc) =	sbr.rel @!p2 .LBB1_6-.Ltmp1, $4  }
0x1a: {  	s15 =	simm.s32 @!p1 $0x2  }
0x1b: {  	s13 =	smov.u32 s10;
	p0 =	por !p0, !p0;
	_ =	swait.ge @!p1 [sflag:s15], $0x2000  }
0x1c: {  	s12 =	smov.u32 s9;
	[sflag:s15] =	ssyncset.done @!p1 $0x0;
	s9 =	smov.u32 s14  }
0x1d: {  	s11 =	sadd.s32 $0x1, s11;
	[sflag:s15] =	ssyncadd.s32 @!p1 $0xFFFFE000;
	s10 =	smov.u32 s16  }
.LBB1_1:
0x1e: {  	p1 =	sge.u32 s11, s5  }
0x1f: {  	s14 =	sand.u32 @!p1 $0x1FFFFFF, s9  }
0x20: {  	s15 =	smulhi.u32 @!p1 $0x147AE15, s14;
	_ =	sdelay $0x1  }
0x21: {  	s15 =	smul.u32 @!p1 $0xC8, s15  }
0x22: {  	s16 =	sxor.u32 @!p1 $0xFFFFFFFF, s11;
	s17 =	smul.u32 @!p1 $0xC80, s10  }
0x23: {  	s31 =	sadd.s32 $0xFFFFFFFF, s11;
	s16 =	sshll.u32 @!p1 s16, $0xD;
	s14 =	ssub.s32 @!p1 s14, s15  }
0x24: {  	s15 =	sand.u32 @!p1 $0x2000, s16;
	s16 =	sadd.s32 @!p1 s6, s17;
	s14 =	sshll.u32 @!p1 s14, $0x4  }
0x25: {  	s17 =	simm.s32 @!p1 $0x6400;
	s14 =	sadd.s32 @!p1 s14, s16;
	s16 =	simm.s32 @!p1 $0x40  }
0x26: {  	[tilespmem:s15], [sflag:$0x1] =	stream.strided.gather @!p1 [hbm4b:s14+s16], $0x2000, s17, s16, $0x38;
	[tilespmem:$0x8080] =	vst v63  }
0x27: {  	p1 =	sge.u32 s31, s5  }
.Ltmp2:
0x28: {  	_ = 	snop;
	(pc) =	sbr.rel @p1 .LBB1_5-.Ltmp2, $1  }
0x29: {  	_ =	sdelay $0x3  }
0x2a: {  	s14 =	simm.s32 $0x1  }
0x2b: {  	_ =	swait.ge [sflag:s4], $0x2000;
	s14 =	simm.s32 @!p0 $0x0  }
0x2c: {  	[sflag:s4] =	ssyncset.done $0x0;
	s15 =	sshll.u32 s14, $0xD  }
0x2d: {  	[sflag:s4] =	ssyncadd.s32 $0xFFFFE000;
	s18 =	sor.u32 $0x20, s15  }
0x2e: {  	s14 =	smul.u32 $0x8100, s14;
	v3 =	vld [tilespmem:s18+$0x10]  }
0x2f: {  	s30 =	sand.u32 $0x1, s11;
	v2 =	vld [tilespmem:s18+$0xFFFFFFF0]  }
0x30: {  	s15 =	smul.u32 $0x8100, s30;
	s14 =	sshrl.u32 s14, $0x2;
	v0 =	vld [tilespmem:s18+$0x0]  }
0x31: {  	v1 =	vld [tilespmem:s18+$0xFFFFFFE0];
	s16 =	sor.u32 $0x4000, s14  }
0x32: {  	s31 =	sshrl.u32 s15, $0x2;
	s15 =	sadd.s32 $0x0, s16  }
0x33: {  	s17 =	simm.s32 $0x4;
	s18 =	sadd.s32 $0x40, s18;
	s14 =	sor.u32 $0x4000, s31;
	[tilespmem:s15+$0x1830 ss:$0x81] =	vst.msk $0xffff, v3  }
.LBB1_3:
0x34: {  	v3 =	vld [tilespmem:s18+$0x10];
	p1 =	sne.s32 s17, $0x1FC;
	[tilespmem:s15+$0x810 ss:$0x81] =	vst.msk $0xffff, v2;
	s19 =	smov.u32 s17;
	s17 =	sadd.s32 $0x4, s17  }
.Ltmp3:
0x35: {  	v2 =	vld [tilespmem:s18+$0xFFFFFFF0];
	[tilespmem:s15+$0x1020 ss:$0x81] =	vst.msk $0xffff, v0;
	(pc) =	sbr.rel @p1 .LBB1_3-.Ltmp3, $4  }
0x36: {  	v0 =	vld [tilespmem:s18+$0x0];
	[tilespmem:s15+$0x0 ss:$0x81] =	vst.msk $0xffff, v1  }
0x37: {  	s15 =	sshra.s32 s19, $0x2;
	v1 =	vld [tilespmem:s18+$0xFFFFFFE0]  }
0x38: {  	s15 =	sadd.s32 s15, s16  }
0x39: {  	s18 =	sadd.s32 $0x40, s18;
	[tilespmem:s15+$0x1830 ss:$0x81] =	vst.msk $0xffff, v3  }
.Ltmp4:
0x3a: {  	_ = 	snop;
	(pc) =	sbr.rel .LBB1_4-.Ltmp4, $1  }
0x3b: {  	_ =	sdelay $0x3  }
.LBB1_6:
0x3c: {  	_ =	sfence.sel $0x180000  }
0x3d: {  	s2 =	simm.s32 $0x1;
	[bflag:$0x0] =	sbarrier.arrive $0xFFFF  }
0x3e: {  	s31 =	simm.s32 $0x2;
	[sflag:s2] =	ssyncpa.u1 $0x1  }
0x3f: {  	[sflag:s31] =	ssyncpa.u1 $0x1  }
0x40: {  	p0 =	sne.s32 s0, $0x0;
	_ =	strace $0x9000004A  }
0x41: {  	s0 =	sadd.s32 @!p0 $0x100000, s1;
	[bflag:$0x2] =	sbarrier.arrive $0xFFFF  }
0x42: {  	[sflag:s0] =	ssyncadd.tile.s32 @!p0 $0x1;
	_ =	shalt  }
.Lfunc_end1:
_tile_overlayer_lowered:
.L_overlay_start_2:
0x43: {  	(tag) =	ssettag $0x2  }
0x44: {  	s0 =	rddreg [dreg:$0x0];
	s2 =	stileid.u32  }
0x45: {  	s1 =	rddreg [dreg:$0x1];
	p0 =	sne.s32 s2, $0x0  }
0x46: {  	s3 =	rddreg [dreg:$0x2];
	[bflag:$0x3] =	sbarrier.arrive $0xFFFF;
	s2 =	simm.s32 @!p0 $0x1C01  }
0x47: {  	[timem:s3], [sflag:s2] =	dma.local @!p0 [hbm:s0], s1  }
0x48: {  	s0 =	simm.s32 @!p0 $0x1  }
0x49: {  	_ =	swait.ge @!p0 [sflag:s0], s1  }
0x4a: {  	s1 =	ssub.s32 @!p0 $0x0, s1;
	[sflag:s0] =	ssyncset.done @!p0 $0x0  }
0x4b: {  	[sflag:s0] =	ssyncadd.s32 @!p0 s1  }
0x4c: {  	[bflag:$0x3] =	sbarrier.arrive $0xFFFF  }
0x4d: {  	_ =	shalt  }

</sc_bundles>
